<compile_context>
chip_gen: v7x
topology: tpu7x:2x2x1
jax: 0.10.2.dev20260603
libtpu: 0.0.44.dev20260713+nightly
codegen_flags: <defaults>
</compile_context>

<pallas_src>
import functools

import jax
import jax.numpy as jnp
from jax import lax
from jax.experimental import pallas as pl
from jax.experimental.pallas import tpu as pltpu
from jax.experimental.pallas import tpu_sc as plsc

N_ITEMS = 100000
N_CAT = 1000
FDIM = 512
K = 64
K2 = 32
B = 16384
LAMBDA_W = 0.01
LAMBDA_B = 0.01

NC, NS = 2, 16
NW = NC * NS
W = B // NW
CF = 64
CT = 128
TAB = 128
PBLK = 4096
NPAD = 25 * PBLK


def _pack_body(gut_r, tut_r, git_r, bi_r, ut_r, it_r):
    f32 = jnp.float32
    dn = (((0,), (0,)), ((), ()))
    eye = jnp.eye(TAB, dtype=f32)
    z32 = jnp.zeros((TAB - K - K2, PBLK), f32)
    utT = jnp.concatenate([gut_r[...], tut_r[...], z32], axis=0)
    ut_r[...] = jax.lax.dot_general(utT, eye, dn, preferred_element_type=f32)
    bi1 = bi_r[...][None, :]
    z63 = jnp.zeros((TAB - K - 1, PBLK), f32)
    itT = jnp.concatenate([git_r[...], bi1, z63], axis=0)
    it_r[...] = jax.lax.dot_general(itT, eye, dn, preferred_element_type=f32)


def _pack_tables(GuT, TuT, GiT, Bi):
    f32 = jnp.float32
    G = NPAD // PBLK
    col = lambda b: (0, b)
    vec = lambda b: (b,)
    row = lambda b: (b, 0)
    return pl.pallas_call(
        _pack_body,
        grid=(G,),
        in_specs=[
            pl.BlockSpec((K, PBLK), col),
            pl.BlockSpec((K2, PBLK), col),
            pl.BlockSpec((K, PBLK), col),
            pl.BlockSpec((PBLK,), vec),
        ],
        out_specs=[pl.BlockSpec((PBLK, TAB), row),
                   pl.BlockSpec((PBLK, TAB), row)],
        out_shape=[jax.ShapeDtypeStruct((NPAD, TAB), f32),
                   jax.ShapeDtypeStruct((NPAD, TAB), f32)],
        compiler_params=pltpu.CompilerParams(
            dimension_semantics=("arbitrary",)),
    )(GuT, TuT, GiT, Bi)


def _sc_gather_f(i, j, F, IC):
    mesh = plsc.VectorSubcoreMesh(core_axis_name="c", subcore_axis_name="s")
    f32 = jnp.float32
    out_type = (jax.ShapeDtypeStruct((B, FDIM), f32),
                jax.ShapeDtypeStruct((B,), jnp.int32),
                jax.ShapeDtypeStruct((B,), jnp.int32))
    scratch = [
        pltpu.VMEM((W,), jnp.int32),
        pltpu.VMEM((W,), jnp.int32),
        pltpu.VMEM((CF, FDIM), f32),
        pltpu.VMEM((CF, FDIM), f32),
        pltpu.VMEM((CF,), jnp.int32),
        pltpu.VMEM((CF,), jnp.int32),
        pltpu.SemaphoreType.DMA,
    ]

    @functools.partial(pl.kernel, out_type=out_type, mesh=mesh,
                       scratch_types=scratch)
    def body(i_h, j_h, F_h, IC_h, fd_o, ci_o, cj_o,
             iv, jv, fi_v, fj_v, ci_v, cj_v, sem):
        wid = lax.axis_index("s") * NC + lax.axis_index("c")
        base0 = wid * W
        d = [pltpu.async_copy(i_h.at[pl.ds(base0, W)], iv, sem),
             pltpu.async_copy(j_h.at[pl.ds(base0, W)], jv, sem)]
        for t in d:
            t.wait()

        def chunk(c, carry):
            o = c * CF
            s = pl.ds(o, CF)
            d = [pltpu.async_copy(F_h.at[iv.at[s]], fi_v, sem),
                 pltpu.async_copy(F_h.at[jv.at[s]], fj_v, sem),
                 pltpu.async_copy(IC_h.at[iv.at[s]], ci_v, sem),
                 pltpu.async_copy(IC_h.at[jv.at[s]], cj_v, sem)]
            for t in d:
                t.wait()

            def row(r, cc):
                for k in range(FDIM // 16):
                    sl = pl.ds(k * 16, 16)
                    fi_v[r, sl] = fi_v[r, sl] - fj_v[r, sl]
                return cc

            lax.fori_loop(0, CF, row, 0)
            so = pl.ds(base0 + o, CF)
            d = [pltpu.async_copy(fi_v, fd_o.at[so], sem),
                 pltpu.async_copy(ci_v, ci_o.at[so], sem),
                 pltpu.async_copy(cj_v, cj_o.at[so], sem)]
            for t in d:
                t.wait()
            return carry

        lax.fori_loop(0, W // CF, chunk, 0)

    return body(i, j, F, IC)


def _sc_gather_tabs(u, i, j, UserTab, ItemTab, fd):
    mesh = plsc.VectorSubcoreMesh(core_axis_name="c", subcore_axis_name="s")
    f32 = jnp.float32
    out_type = (
        jax.ShapeDtypeStruct((B, TAB), f32),
        jax.ShapeDtypeStruct((B, TAB), f32),
        jax.ShapeDtypeStruct((B, TAB), f32),
    )
    scratch = [
        pltpu.VMEM((W,), jnp.int32),
        pltpu.VMEM((W,), jnp.int32),
        pltpu.VMEM((W,), jnp.int32),
        pltpu.VMEM((CT, TAB), f32),
        pltpu.VMEM((CT, TAB), f32),
        pltpu.VMEM((CT, TAB), f32),
        pltpu.SemaphoreType.DMA,
    ]

    @functools.partial(pl.kernel, out_type=out_type, mesh=mesh,
                       scratch_types=scratch)
    def body(u_h, i_h, j_h, UT_h, IT_h, fd_h,
             ur_o, ir_o, jr_o, uv, iv, jv, ur_v, ir_v, jr_v, sem):
        del fd_h
        wid = lax.axis_index("s") * NC + lax.axis_index("c")
        base0 = wid * W
        d = [pltpu.async_copy(u_h.at[pl.ds(base0, W)], uv, sem),
             pltpu.async_copy(i_h.at[pl.ds(base0, W)], iv, sem),
             pltpu.async_copy(j_h.at[pl.ds(base0, W)], jv, sem)]
        for t in d:
            t.wait()

        def chunk(c, carry):
            o = c * CT
            s = pl.ds(o, CT)
            d = [pltpu.async_copy(UT_h.at[uv.at[s]], ur_v, sem),
                 pltpu.async_copy(IT_h.at[iv.at[s]], ir_v, sem),
                 pltpu.async_copy(IT_h.at[jv.at[s]], jr_v, sem)]
            for t in d:
                t.wait()
            so = pl.ds(base0 + o, CT)
            d = [pltpu.async_copy(ur_v, ur_o.at[so], sem),
                 pltpu.async_copy(ir_v, ir_o.at[so], sem),
                 pltpu.async_copy(jr_v, jr_o.at[so], sem)]
            for t in d:
                t.wait()
            return carry

        lax.fori_loop(0, W // CT, chunk, 0)

    return body(u, i, j, UserTab, ItemTab, fd)


def _cfd_body(ci_r, cj_r, Ic_r, cfd_r):
    f32 = jnp.float32
    ci = ci_r[...][:, None]
    cj = cj_r[...][:, None]
    blk = ci.shape[0]
    cats = jax.lax.broadcasted_iota(jnp.int32, (blk, N_CAT), 1)
    zdiff = (cats == ci).astype(f32) - (cats == cj).astype(f32)
    cfd_r[...] = jnp.dot(zdiff, Ic_r[...], preferred_element_type=f32)


def _cfd_stage(ci, cj, Ic):
    BLK = 2048
    G = B // BLK
    f32 = jnp.float32
    return pl.pallas_call(
        _cfd_body,
        grid=(G,),
        in_specs=[
            pl.BlockSpec((BLK,), lambda b: (b,)),
            pl.BlockSpec((BLK,), lambda b: (b,)),
            pl.BlockSpec((N_CAT, K2), lambda b: (0, 0)),
        ],
        out_specs=pl.BlockSpec((BLK, K2), lambda b: (b, 0)),
        out_shape=jax.ShapeDtypeStruct((B, K2), f32),
        compiler_params=pltpu.CompilerParams(
            dimension_semantics=("arbitrary",)),
    )(ci, cj, Ic)


def _tc_body(ur_r, ir_r, jr_r, fd_r, cfd_r, E_r, Bp_r,
             loss_r, auc_r):
    pid = pl.program_id(0)
    f32 = jnp.float32
    ub = ur_r[...]
    ib = ir_r[...]
    jb = jr_r[...]
    gu = ub[:, :K]
    tu = ub[:, K:K + K2]
    gi = ib[:, :K]
    gj = jb[:, :K]
    bi = ib[:, K:K + 1]
    bj = jb[:, K:K + 1]
    cfd = cfd_r[...]

    fd = fd_r[...]
    t = jnp.dot(fd, E_r[...], preferred_element_type=f32)
    g = jnp.dot(fd, Bp_r[...], preferred_element_type=f32)

    ones_k = jnp.ones((K, 1), f32)
    ones_k2 = jnp.ones((K2, 1), f32)
    x = (bi - bj
         + jnp.dot(gu * (gi - gj), ones_k, preferred_element_type=f32)
         + jnp.dot(tu * (t - cfd), ones_k2, preferred_element_type=f32)
         + g)
    pll = jnp.minimum(x, 0.0) - jnp.log1p(jnp.exp(-jnp.abs(x)))
    pauc = (x > 0.0).astype(f32)
    preg = (0.5 * LAMBDA_W * (
                jnp.dot(gu * gu + gi * gi + gj * gj, ones_k,
                        preferred_element_type=f32)
                + jnp.dot(tu * tu, ones_k2, preferred_element_type=f32))
            + 0.5 * LAMBDA_B * (bi * bi + bj * bj))

    @pl.when(pid == 0)
    def _():
        loss_r[0, 0] = 0.0
        auc_r[0, 0] = 0.0

    loss_r[0, 0] += jnp.sum(preg - pll)
    auc_r[0, 0] += jnp.sum(pauc)


def _tc_math(ur, ir, jr, fd, cfd, E, Bp):
    BLK = 2048
    G = B // BLK
    f32 = jnp.float32
    row = lambda b: (b, 0)
    full = lambda b: (0, 0)
    vec = lambda b: (b,)
    grid_spec = pl.GridSpec(
        grid=(G,),
        in_specs=[
            pl.BlockSpec((BLK, TAB), row),
            pl.BlockSpec((BLK, TAB), row),
            pl.BlockSpec((BLK, TAB), row),
            pl.BlockSpec((BLK, FDIM), row),
            pl.BlockSpec((BLK, K2), row),
            pl.BlockSpec((FDIM, K2), full),
            pl.BlockSpec((FDIM, 1), full),
        ],
        out_specs=[
            pl.BlockSpec((1, 1), full, memory_space=pltpu.SMEM),
            pl.BlockSpec((1, 1), full, memory_space=pltpu.SMEM),
        ],
    )
    loss, auc = pl.pallas_call(
        _tc_body,
        grid_spec=grid_spec,
        out_shape=[jax.ShapeDtypeStruct((1, 1), f32),
                   jax.ShapeDtypeStruct((1, 1), f32)],
        compiler_params=pltpu.CompilerParams(
            dimension_semantics=("arbitrary",)),
    )(ur, ir, jr, fd, cfd, E, Bp)
    return loss[0, 0], auc[0, 0]


def kernel(u, i, j, Bi, Gu, Gi, Tu, Ic, E, Bp, F, IC):
    u = u.astype(jnp.int32)
    i = i.astype(jnp.int32)
    j = j.astype(jnp.int32)
    fd, ci, cj = _sc_gather_f(i, j, F, IC)
    UserTab, ItemTab = _pack_tables(Gu.T, Tu.T, Gi.T, Bi)
    ur, ir, jr = _sc_gather_tabs(u, i, j, UserTab, ItemTab, fd)
    cfd = _cfd_stage(ci, cj, Ic)
    return _tc_math(ur, ir, jr, fd, cfd, E, Bp)

# --- scband reference (transcript-rebuilt; emitter-appended) ---
"""Pipeline reference for scband-vbprc-50448685859189 (READ-ONLY COPY).

The authoritative reference and input builder live on the scoring server;
editing this copy changes nothing except your own understanding.
"""

import jax, jax.numpy as jnp
import numpy as np

N_USERS = 100000
N_ITEMS = 100000
N_CAT = 1000
FDIM = 512
K = 64
K2 = 32
B = 16384
LAMBDA_W = 0.01
LAMBDA_B = 0.01
LAMBDA_E = 0.0


def _xavier_uniform(key, shape):
    # torch nn.init.xavier_uniform_ for a (fan_out, fan_in) 2-D weight
    fan_out, fan_in = shape[0], shape[1]
    bound = float(np.sqrt(6.0 / (fan_in + fan_out)))
    return jax.random.uniform(key, shape, dtype=jnp.float32, minval=-bound, maxval=bound)


def setup_inputs(seed: int = 0) -> dict:
    key = jax.random.key(seed)
    ks = jax.random.split(key, 12)
    u = jax.random.randint(ks[0], (B,), 0, N_USERS, dtype=jnp.int64 if jax.config.jax_enable_x64 else jnp.int32)
    i = jax.random.randint(ks[1], (B,), 0, N_ITEMS, dtype=jnp.int64 if jax.config.jax_enable_x64 else jnp.int32)
    j = jax.random.randint(ks[2], (B,), 0, N_ITEMS, dtype=jnp.int64 if jax.config.jax_enable_x64 else jnp.int32)
    Bi = jnp.zeros((N_ITEMS,), dtype=jnp.float32)
    Gu = _xavier_uniform(ks[3], (N_USERS, K))
    Gi = _xavier_uniform(ks[4], (N_ITEMS, K))
    Tu = _xavier_uniform(ks[5], (N_USERS, K2))
    Ic = _xavier_uniform(ks[6], (N_CAT, K2))
    E = _xavier_uniform(ks[7], (FDIM, K2))
    Bp = _xavier_uniform(ks[8], (FDIM, 1))
    # F = torch.rand(n_items, FDIM) / 60 (constant feature matrix, not a parameter)
    F = jax.random.uniform(ks[9], (N_ITEMS, FDIM), dtype=jnp.float32) / 60.0
    IC = jax.random.randint(ks[10], (N_ITEMS,), 0, N_CAT, dtype=jnp.int32)
    return {"u": u, "i": i, "j": j, "Bi": Bi, "Gu": Gu, "Gi": Gi, "Tu": Tu,
            "Ic": Ic, "E": E, "Bp": Bp, "F": F, "IC": IC}


def _inner(a, b):
    return (a * b).sum(axis=1)


def _l2(*tensors):
    return sum([jnp.sum(t ** 2) for t in tensors]) / 2.0


def reference(u, i, j, Bi, Gu, Gi, Tu, Ic, E, Bp, F, IC):
    gamma_u = Gu[u]
    theta_u = Tu[u]
    ci = IC[i]
    cj = IC[j]
    beta_i = Bi[i]
    gamma_i = Gi[i]
    cf_i = Ic[ci]
    feat_i = F[i]
    beta_j = Bi[j]
    gamma_j = Gi[j]
    cf_j = Ic[cj]
    feat_j = F[j]
    gamma_diff = gamma_i - gamma_j
    feat_diff = feat_i - feat_j
    cf_diff = cf_i - cf_j
    Xuij = (beta_i - beta_j
            + _inner(gamma_u, gamma_diff)
            + _inner(theta_u, feat_diff @ E - cf_diff)
            + (feat_diff @ Bp).squeeze())
    log_likelihood = jax.nn.log_sigmoid(Xuij).sum()
    reg = (_l2(gamma_u, gamma_i, gamma_j, theta_u) * LAMBDA_W
           + _l2(beta_i, beta_j) * LAMBDA_B
           + _l2(E, Bp, cf_i, cf_j) * LAMBDA_E)
    loss = -log_likelihood + reg
    auc = (Xuij > 0).astype(jnp.float32).sum()
    return (loss, auc)

if __name__ == "__main__":
    import jax
    _d = setup_inputs()
    print(jax.jit(kernel)(*tuple(_d.values())))

</pallas_src>

<mosaic_0001>
#map = affine_map<(d0, d1) -> (0)>
#map1 = affine_map<(d0, d1) -> (0, 0)>
module attributes {stable_mosaic.version = 14 : i64} {
  func.func @body(%arg0: i32, %arg1: i32, %arg2: memref<16384xi32, #tpu.memory_space<hbm>>, %arg3: memref<16384xi32, #tpu.memory_space<hbm>>, %arg4: memref<100000x512xf32, #tpu.memory_space<hbm>>, %arg5: memref<100000xi32, #tpu.memory_space<hbm>>, %arg6: memref<16384x512xf32, #tpu.memory_space<hbm>>, %arg7: memref<16384xi32, #tpu.memory_space<hbm>>, %arg8: memref<16384xi32, #tpu.memory_space<hbm>>, %arg9: memref<512xi32, #tpu.memory_space<vmem>>, %arg10: memref<512xi32, #tpu.memory_space<vmem>>, %arg11: memref<64x512xf32, #tpu.memory_space<vmem>>, %arg12: memref<64x512xf32, #tpu.memory_space<vmem>>, %arg13: memref<64xi32, #tpu.memory_space<vmem>>, %arg14: memref<64xi32, #tpu.memory_space<vmem>>, %arg15: memref<!tpu.dma_semaphore, #tpu.memory_space<semaphore_mem>>) attributes {dimension_semantics = [#tpu.dimension_semantics<core_parallel>, #tpu.dimension_semantics<subcore_parallel>], iteration_bounds = array<i64: 2, 16>, scalar_prefetch = 0 : i64, scratch_operands = 7 : i64, tpu.core_type = #tpu.core_type<sc_vector_subcore>, window_params = [{transform_indices = #map}, {transform_indices = #map}, {transform_indices = #map1}, {transform_indices = #map}, {transform_indices = #map1}, {transform_indices = #map}, {transform_indices = #map}]} {
    %mul3A = arith.constant 2 : i32
    %mul3A_0 = arith.muli %arg1, %mul3A : i32
    %add3A = arith.addi %mul3A_0, %arg0 : i32
    %mul3A_1 = arith.constant 512 : i32
    %mul3A_2 = arith.muli %add3A, %mul3A_1 : i32
    %dma_start3A = tpu.memref_slice %arg2[%mul3A_2] : memref<16384xi32, #tpu.memory_space<hbm>> -> memref<512xi32, #tpu.memory_space<hbm>>
    %dma_start3A_3 = tpu.memref_slice %arg2[%mul3A_2] : memref<16384xi32, #tpu.memory_space<hbm>> -> memref<512xi32, #tpu.memory_space<hbm>>
    tpu.enqueue_dma source(%dma_start3A_3 : memref<512xi32, #tpu.memory_space<hbm>>) target(%arg9 : memref<512xi32, #tpu.memory_space<vmem>>) target_semaphore(%arg15 : memref<!tpu.dma_semaphore, #tpu.memory_space<semaphore_mem>>)
    %dma_start3A_4 = tpu.memref_slice %arg3[%mul3A_2] : memref<16384xi32, #tpu.memory_space<hbm>> -> memref<512xi32, #tpu.memory_space<hbm>>
    %dma_start3A_5 = tpu.memref_slice %arg3[%mul3A_2] : memref<16384xi32, #tpu.memory_space<hbm>> -> memref<512xi32, #tpu.memory_space<hbm>>
    tpu.enqueue_dma source(%dma_start3A_5 : memref<512xi32, #tpu.memory_space<hbm>>) target(%arg10 : memref<512xi32, #tpu.memory_space<vmem>>) target_semaphore(%arg15 : memref<!tpu.dma_semaphore, #tpu.memory_space<semaphore_mem>>)
    %dma_wait3A = tpu.memref_slice %arg2[%mul3A_2] : memref<16384xi32, #tpu.memory_space<hbm>> -> memref<512xi32, #tpu.memory_space<hbm>>
    %dma_wait3A_6 = tpu.memref_slice %arg2[%mul3A_2] : memref<16384xi32, #tpu.memory_space<hbm>> -> memref<512xi32, #tpu.memory_space<hbm>>
    tpu.wait_dma2 semaphore(%arg15 : memref<!tpu.dma_semaphore, #tpu.memory_space<semaphore_mem>>) src(%dma_wait3A_6 : memref<512xi32, #tpu.memory_space<hbm>>) dst(%arg9 : memref<512xi32, #tpu.memory_space<vmem>>)
    %dma_wait3A_7 = tpu.memref_slice %arg3[%mul3A_2] : memref<16384xi32, #tpu.memory_space<hbm>> -> memref<512xi32, #tpu.memory_space<hbm>>
    %dma_wait3A_8 = tpu.memref_slice %arg3[%mul3A_2] : memref<16384xi32, #tpu.memory_space<hbm>> -> memref<512xi32, #tpu.memory_space<hbm>>
    tpu.wait_dma2 semaphore(%arg15 : memref<!tpu.dma_semaphore, #tpu.memory_space<semaphore_mem>>) src(%dma_wait3A_8 : memref<512xi32, #tpu.memory_space<hbm>>) dst(%arg10 : memref<512xi32, #tpu.memory_space<vmem>>)
    %scan3A = arith.constant 0 : i32
    %scan3A_9 = arith.constant 0 : i32
    %scan3A_10 = arith.constant 8 : i32
    %scan3A_11 = arith.addi %scan3A_9, %scan3A_10 : i32
    %scan3A_12 = arith.constant 1 : i32
    scf.for %scan3A_14 = %scan3A_9 to %scan3A_11 step %scan3A_12  : i32 {
      %mul3A_15 = arith.constant 64 : i32
      %mul3A_16 = arith.muli %scan3A_14, %mul3A_15 : i32
      %dma_start3A_17 = tpu.memref_slice %arg9[%mul3A_16] : memref<512xi32, #tpu.memory_space<vmem>> -> memref<64xi32, #tpu.memory_space<vmem>>
      %dma_start3A_18 = arith.constant 0 : i32
      %dma_start3A_19 = arith.constant 0 : i32
      %dma_start3A_20 = tpu.memref_slice %arg4[%dma_start3A_18, %dma_start3A_19] : memref<100000x512xf32, #tpu.memory_space<hbm>> -> memref<100000x512xf32, #tpu.memory_space<hbm>>
      tpu.enqueue_indirect_dma source(%dma_start3A_20 : memref<100000x512xf32, #tpu.memory_space<hbm>>) target(%arg11 : memref<64x512xf32, #tpu.memory_space<vmem>>) offsets(%dma_start3A_17 : memref<64xi32, #tpu.memory_space<vmem>>) semaphore(%arg15 : memref<!tpu.dma_semaphore, #tpu.memory_space<semaphore_mem>>)
      %dma_start3A_21 = tpu.memref_slice %arg10[%mul3A_16] : memref<512xi32, #tpu.memory_space<vmem>> -> memref<64xi32, #tpu.memory_space<vmem>>
      %dma_start3A_22 = arith.constant 0 : i32
      %dma_start3A_23 = arith.constant 0 : i32
      %dma_start3A_24 = tpu.memref_slice %arg4[%dma_start3A_22, %dma_start3A_23] : memref<100000x512xf32, #tpu.memory_space<hbm>> -> memref<100000x512xf32, #tpu.memory_space<hbm>>
      tpu.enqueue_indirect_dma source(%dma_start3A_24 : memref<100000x512xf32, #tpu.memory_space<hbm>>) target(%arg12 : memref<64x512xf32, #tpu.memory_space<vmem>>) offsets(%dma_start3A_21 : memref<64xi32, #tpu.memory_space<vmem>>) semaphore(%arg15 : memref<!tpu.dma_semaphore, #tpu.memory_space<semaphore_mem>>)
      %dma_start3A_25 = tpu.memref_slice %arg9[%mul3A_16] : memref<512xi32, #tpu.memory_space<vmem>> -> memref<64xi32, #tpu.memory_space<vmem>>
      %dma_start3A_26 = arith.constant 0 : i32
      %dma_start3A_27 = tpu.memref_slice %arg5[%dma_start3A_26] : memref<100000xi32, #tpu.memory_space<hbm>> -> memref<100000xi32, #tpu.memory_space<hbm>>
      tpu.enqueue_indirect_dma source(%dma_start3A_27 : memref<100000xi32, #tpu.memory_space<hbm>>) target(%arg13 : memref<64xi32, #tpu.memory_space<vmem>>) offsets(%dma_start3A_25 : memref<64xi32, #tpu.memory_space<vmem>>) semaphore(%arg15 : memref<!tpu.dma_semaphore, #tpu.memory_space<semaphore_mem>>)
      %dma_start3A_28 = tpu.memref_slice %arg10[%mul3A_16] : memref<512xi32, #tpu.memory_space<vmem>> -> memref<64xi32, #tpu.memory_space<vmem>>
      %dma_start3A_29 = arith.constant 0 : i32
      %dma_start3A_30 = tpu.memref_slice %arg5[%dma_start3A_29] : memref<100000xi32, #tpu.memory_space<hbm>> -> memref<100000xi32, #tpu.memory_space<hbm>>
      tpu.enqueue_indirect_dma source(%dma_start3A_30 : memref<100000xi32, #tpu.memory_space<hbm>>) target(%arg14 : memref<64xi32, #tpu.memory_space<vmem>>) offsets(%dma_start3A_28 : memref<64xi32, #tpu.memory_space<vmem>>) semaphore(%arg15 : memref<!tpu.dma_semaphore, #tpu.memory_space<semaphore_mem>>)
      %dma_wait3A_31 = tpu.memref_slice %arg9[%mul3A_16] : memref<512xi32, #tpu.memory_space<vmem>> -> memref<64xi32, #tpu.memory_space<vmem>>
      %dma_wait3A_32 = arith.constant 0 : i32
      %dma_wait3A_33 = arith.constant 0 : i32
      %dma_wait3A_34 = tpu.memref_slice %arg4[%dma_wait3A_32, %dma_wait3A_33] : memref<100000x512xf32, #tpu.memory_space<hbm>> -> memref<100000x512xf32, #tpu.memory_space<hbm>>
      tpu.wait_indirect_dma semaphore(%arg15 : memref<!tpu.dma_semaphore, #tpu.memory_space<semaphore_mem>>) src(%dma_wait3A_34 : memref<100000x512xf32, #tpu.memory_space<hbm>>) dst(%arg11 : memref<64x512xf32, #tpu.memory_space<vmem>>)
      %dma_wait3A_35 = tpu.memref_slice %arg10[%mul3A_16] : memref<512xi32, #tpu.memory_space<vmem>> -> memref<64xi32, #tpu.memory_space<vmem>>
      %dma_wait3A_36 = arith.constant 0 : i32
      %dma_wait3A_37 = arith.constant 0 : i32
      %dma_wait3A_38 = tpu.memref_slice %arg4[%dma_wait3A_36, %dma_wait3A_37] : memref<100000x512xf32, #tpu.memory_space<hbm>> -> memref<100000x512xf32, #tpu.memory_space<hbm>>
      tpu.wait_indirect_dma semaphore(%arg15 : memref<!tpu.dma_semaphore, #tpu.memory_space<semaphore_mem>>) src(%dma_wait3A_38 : memref<100000x512xf32, #tpu.memory_space<hbm>>) dst(%arg12 : memref<64x512xf32, #tpu.memory_space<vmem>>)
      %dma_wait3A_39 = tpu.memref_slice %arg9[%mul3A_16] : memref<512xi32, #tpu.memory_space<vmem>> -> memref<64xi32, #tpu.memory_space<vmem>>
      %dma_wait3A_40 = arith.constant 0 : i32
      %dma_wait3A_41 = tpu.memref_slice %arg5[%dma_wait3A_40] : memref<100000xi32, #tpu.memory_space<hbm>> -> memref<100000xi32, #tpu.memory_space<hbm>>
      tpu.wait_indirect_dma semaphore(%arg15 : memref<!tpu.dma_semaphore, #tpu.memory_space<semaphore_mem>>) src(%dma_wait3A_41 : memref<100000xi32, #tpu.memory_space<hbm>>) dst(%arg13 : memref<64xi32, #tpu.memory_space<vmem>>)
      %dma_wait3A_42 = tpu.memref_slice %arg10[%mul3A_16] : memref<512xi32, #tpu.memory_space<vmem>> -> memref<64xi32, #tpu.memory_space<vmem>>
      %dma_wait3A_43 = arith.constant 0 : i32
      %dma_wait3A_44 = tpu.memref_slice %arg5[%dma_wait3A_43] : memref<100000xi32, #tpu.memory_space<hbm>> -> memref<100000xi32, #tpu.memory_space<hbm>>
      tpu.wait_indirect_dma semaphore(%arg15 : memref<!tpu.dma_semaphore, #tpu.memory_space<semaphore_mem>>) src(%dma_wait3A_44 : memref<100000xi32, #tpu.memory_space<hbm>>) dst(%arg14 : memref<64xi32, #tpu.memory_space<vmem>>)
      %scan3A_45 = arith.constant 0 : i32
      %scan3A_46 = arith.constant 0 : i32
      %scan3A_47 = arith.constant 64 : i32
      %scan3A_48 = arith.addi %scan3A_46, %scan3A_47 : i32
      %scan3A_49 = arith.constant 1 : i32
      scf.for %scan3A_68 = %scan3A_46 to %scan3A_48 step %scan3A_49  : i32 {
        %get3A = arith.index_cast %scan3A_68 : i32 to index
        %get3A_69 = arith.constant 0 : index
        %get3A_70 = tpu.vector_load %arg11[%get3A, %get3A_69] {strides = array<i32>} : memref<64x512xf32, #tpu.memory_space<vmem>>, vector<1x16xf32>,
        %get3A_71 = vector.shape_cast %get3A_70 : vector<1x16xf32> to vector<16xf32>
        %get3A_72 = arith.index_cast %scan3A_68 : i32 to index
        %get3A_73 = arith.constant 0 : index
        %get3A_74 = tpu.vector_load %arg12[%get3A_72, %get3A_73] {strides = array<i32>} : memref<64x512xf32, #tpu.memory_space<vmem>>, vector<1x16xf32>,
        %get3A_75 = vector.shape_cast %get3A_74 : vector<1x16xf32> to vector<16xf32>
        %sub3A = arith.subf %get3A_71, %get3A_75 : vector<16xf32>
        %swap3A = arith.index_cast %scan3A_68 : i32 to index
        %swap3A_76 = arith.constant 0 : index
        %swap3A_77 = tpu.vector_load %arg11[%swap3A, %swap3A_76] {strides = array<i32>} : memref<64x512xf32, #tpu.memory_space<vmem>>, vector<1x16xf32>,
        %swap3A_78 = vector.shape_cast %swap3A_77 : vector<1x16xf32> to vector<16xf32>
        %swap3A_79 = vector.shape_cast %sub3A : vector<16xf32> to vector<1x16xf32>
        tpu.vector_store %arg11[%swap3A, %swap3A_76], %swap3A_79 {strides = array<i32>} : memref<64x512xf32, #tpu.memory_space<vmem>>, vector<1x16xf32>,
        %get3A_80 = arith.index_cast %scan3A_68 : i32 to index
        %get3A_81 = arith.constant 16 : index
        %get3A_82 = tpu.vector_load %arg11[%get3A_80, %get3A_81] {strides = array<i32>} : memref<64x512xf32, #tpu.memory_space<vmem>>, vector<1x16xf32>,
        %get3A_83 = vector.shape_cast %get3A_82 : vector<1x16xf32> to vector<16xf32>
        %get3A_84 = arith.index_cast %scan3A_68 : i32 to index
        %get3A_85 = arith.constant 16 : index
        %get3A_86 = tpu.vector_load %arg12[%get3A_84, %get3A_85] {strides = array<i32>} : memref<64x512xf32, #tpu.memory_space<vmem>>, vector<1x16xf32>,
        %get3A_87 = vector.shape_cast %get3A_86 : vector<1x16xf32> to vector<16xf32>
        %sub3A_88 = arith.subf %get3A_83, %get3A_87 : vector<16xf32>
        %swap3A_89 = arith.index_cast %scan3A_68 : i32 to index
        %swap3A_90 = arith.constant 16 : index
        %swap3A_91 = tpu.vector_load %arg11[%swap3A_89, %swap3A_90] {strides = array<i32>} : memref<64x512xf32, #tpu.memory_space<vmem>>, vector<1x16xf32>,
        %swap3A_92 = vector.shape_cast %swap3A_91 : vector<1x16xf32> to vector<16xf32>
        %swap3A_93 = vector.shape_cast %sub3A_88 : vector<16xf32> to vector<1x16xf32>
        tpu.vector_store %arg11[%swap3A_89, %swap3A_90], %swap3A_93 {strides = array<i32>} : memref<64x512xf32, #tpu.memory_space<vmem>>, vector<1x16xf32>,
        %get3A_94 = arith.index_cast %scan3A_68 : i32 to index
        %get3A_95 = arith.constant 32 : index
        %get3A_96 = tpu.vector_load %arg11[%get3A_94, %get3A_95] {strides = array<i32>} : memref<64x512xf32, #tpu.memory_space<vmem>>, vector<1x16xf32>,
        %get3A_97 = vector.shape_cast %get3A_96 : vector<1x16xf32> to vector<16xf32>
        %get3A_98 = arith.index_cast %scan3A_68 : i32 to index
        %get3A_99 = arith.constant 32 : index
        %get3A_100 = tpu.vector_load %arg12[%get3A_98, %get3A_99] {strides = array<i32>} : memref<64x512xf32, #tpu.memory_space<vmem>>, vector<1x16xf32>,
        %get3A_101 = vector.shape_cast %get3A_100 : vector<1x16xf32> to vector<16xf32>
        %sub3A_102 = arith.subf %get3A_97, %get3A_101 : vector<16xf32>
        %swap3A_103 = arith.index_cast %scan3A_68 : i32 to index
        %swap3A_104 = arith.constant 32 : index
        %swap3A_105 = tpu.vector_load %arg11[%swap3A_103, %swap3A_104] {strides = array<i32>} : memref<64x512xf32, #tpu.memory_space<vmem>>, vector<1x16xf32>,
        %swap3A_106 = vector.shape_cast %swap3A_105 : vector<1x16xf32> to vector<16xf32>
        %swap3A_107 = vector.shape_cast %sub3A_102 : vector<16xf32> to vector<1x16xf32>
        tpu.vector_store %arg11[%swap3A_103, %swap3A_104], %swap3A_107 {strides = array<i32>} : memref<64x512xf32, #tpu.memory_space<vmem>>, vector<1x16xf32>,
        %get3A_108 = arith.index_cast %scan3A_68 : i32 to index
        %get3A_109 = arith.constant 48 : index
        %get3A_110 = tpu.vector_load %arg11[%get3A_108, %get3A_109] {strides = array<i32>} : memref<64x512xf32, #tpu.memory_space<vmem>>, vector<1x16xf32>,
        %get3A_111 = vector.shape_cast %get3A_110 : vector<1x16xf32> to vector<16xf32>
        %get3A_112 = arith.index_cast %scan3A_68 : i32 to index
        %get3A_113 = arith.constant 48 : index
        %get3A_114 = tpu.vector_load %arg12[%get3A_112, %get3A_113] {strides = array<i32>} : memref<64x512xf32, #tpu.memory_space<vmem>>, vector<1x16xf32>,
        %get3A_115 = vector.shape_cast %get3A_114 : vector<1x16xf32> to vector<16xf32>
        %sub3A_116 = arith.subf %get3A_111, %get3A_115 : vector<16xf32>
        %swap3A_117 = arith.index_cast %scan3A_68 : i32 to index
        %swap3A_118 = arith.constant 48 : index
        %swap3A_119 = tpu.vector_load %arg11[%swap3A_117, %swap3A_118] {strides = array<i32>} : memref<64x512xf32, #tpu.memory_space<vmem>>, vector<1x16xf32>,
        %swap3A_120 = vector.shape_cast %swap3A_119 : vector<1x16xf32> to vector<16xf32>
        %swap3A_121 = vector.shape_cast %sub3A_116 : vector<16xf32> to vector<1x16xf32>
        tpu.vector_store %arg11[%swap3A_117, %swap3A_118], %swap3A_121 {strides = array<i32>} : memref<64x512xf32, #tpu.memory_space<vmem>>, vector<1x16xf32>,
        %get3A_122 = arith.index_cast %scan3A_68 : i32 to index
        %get3A_123 = arith.constant 64 : index
        %get3A_124 = tpu.vector_load %arg11[%get3A_122, %get3A_123] {strides = array<i32>} : memref<64x512xf32, #tpu.memory_space<vmem>>, vector<1x16xf32>,
        %get3A_125 = vector.shape_cast %get3A_124 : vector<1x16xf32> to vector<16xf32>
        %get3A_126 = arith.index_cast %scan3A_68 : i32 to index
        %get3A_127 = arith.constant 64 : index
        %get3A_128 = tpu.vector_load %arg12[%get3A_126, %get3A_127] {strides = array<i32>} : memref<64x512xf32, #tpu.memory_space<vmem>>, vector<1x16xf32>,
        %get3A_129 = vector.shape_cast %get3A_128 : vector<1x16xf32> to vector<16xf32>
        %sub3A_130 = arith.subf %get3A_125, %get3A_129 : vector<16xf32>
        %swap3A_131 = arith.index_cast %scan3A_68 : i32 to index
        %swap3A_132 = arith.constant 64 : index
        %swap3A_133 = tpu.vector_load %arg11[%swap3A_131, %swap3A_132] {strides = array<i32>} : memref<64x512xf32, #tpu.memory_space<vmem>>, vector<1x16xf32>,
        %swap3A_134 = vector.shape_cast %swap3A_133 : vector<1x16xf32> to vector<16xf32>
        %swap3A_135 = vector.shape_cast %sub3A_130 : vector<16xf32> to vector<1x16xf32>
        tpu.vector_store %arg11[%swap3A_131, %swap3A_132], %swap3A_135 {strides = array<i32>} : memref<64x512xf32, #tpu.memory_space<vmem>>, vector<1x16xf32>,
        %get3A_136 = arith.index_cast %scan3A_68 : i32 to index
        %get3A_137 = arith.constant 80 : index
        %get3A_138 = tpu.vector_load %arg11[%get3A_136, %get3A_137] {strides = array<i32>} : memref<64x512xf32, #tpu.memory_space<vmem>>, vector<1x16xf32>,
        %get3A_139 = vector.shape_cast %get3A_138 : vector<1x16xf32> to vector<16xf32>
        %get3A_140 = arith.index_cast %scan3A_68 : i32 to index
        %get3A_141 = arith.constant 80 : index
        %get3A_142 = tpu.vector_load %arg12[%get3A_140, %get3A_141] {strides = array<i32>} : memref<64x512xf32, #tpu.memory_space<vmem>>, vector<1x16xf32>,
        %get3A_143 = vector.shape_cast %get3A_142 : vector<1x16xf32> to vector<16xf32>
        %sub3A_144 = arith.subf %get3A_139, %get3A_143 : vector<16xf32>
        %swap3A_145 = arith.index_cast %scan3A_68 : i32 to index
        %swap3A_146 = arith.constant 80 : index
        %swap3A_147 = tpu.vector_load %arg11[%swap3A_145, %swap3A_146] {strides = array<i32>} : memref<64x512xf32, #tpu.memory_space<vmem>>, vector<1x16xf32>,
        %swap3A_148 = vector.shape_cast %swap3A_147 : vector<1x16xf32> to vector<16xf32>
        %swap3A_149 = vector.shape_cast %sub3A_144 : vector<16xf32> to vector<1x16xf32>
        tpu.vector_store %arg11[%swap3A_145, %swap3A_146], %swap3A_149 {strides = array<i32>} : memref<64x512xf32, #tpu.memory_space<vmem>>, vector<1x16xf32>,
        %get3A_150 = arith.index_cast %scan3A_68 : i32 to index
        %get3A_151 = arith.constant 96 : index
        %get3A_152 = tpu.vector_load %arg11[%get3A_150, %get3A_151] {strides = array<i32>} : memref<64x512xf32, #tpu.memory_space<vmem>>, vector<1x16xf32>,
        %get3A_153 = vector.shape_cast %get3A_152 : vector<1x16xf32> to vector<16xf32>
        %get3A_154 = arith.index_cast %scan3A_68 : i32 to index
        %get3A_155 = arith.constant 96 : index
        %get3A_156 = tpu.vector_load %arg12[%get3A_154, %get3A_155] {strides = array<i32>} : memref<64x512xf32, #tpu.memory_space<vmem>>, vector<1x16xf32>,
        %get3A_157 = vector.shape_cast %get3A_156 : vector<1x16xf32> to vector<16xf32>
        %sub3A_158 = arith.subf %get3A_153, %get3A_157 : vector<16xf32>
        %swap3A_159 = arith.index_cast %scan3A_68 : i32 to index
        %swap3A_160 = arith.constant 96 : index
        %swap3A_161 = tpu.vector_load %arg11[%swap3A_159, %swap3A_160] {strides = array<i32>} : memref<64x512xf32, #tpu.memory_space<vmem>>, vector<1x16xf32>,
        %swap3A_162 = vector.shape_cast %swap3A_161 : vector<1x16xf32> to vector<16xf32>
        %swap3A_163 = vector.shape_cast %sub3A_158 : vector<16xf32> to vector<1x16xf32>
        tpu.vector_store %arg11[%swap3A_159, %swap3A_160], %swap3A_163 {strides = array<i32>} : memref<64x512xf32, #tpu.memory_space<vmem>>, vector<1x16xf32>,
        %get3A_164 = arith.index_cast %scan3A_68 : i32 to index
        %get3A_165 = arith.constant 112 : index
        %get3A_166 = tpu.vector_load %arg11[%get3A_164, %get3A_165] {strides = array<i32>} : memref<64x512xf32, #tpu.memory_space<vmem>>, vector<1x16xf32>,
        %get3A_167 = vector.shape_cast %get3A_166 : vector<1x16xf32> to vector<16xf32>
        %get3A_168 = arith.index_cast %scan3A_68 : i32 to index
        %get3A_169 = arith.constant 112 : index
        %get3A_170 = tpu.vector_load %arg12[%get3A_168, %get3A_169] {strides = array<i32>} : memref<64x512xf32, #tpu.memory_space<vmem>>, vector<1x16xf32>,
        %get3A_171 = vector.shape_cast %get3A_170 : vector<1x16xf32> to vector<16xf32>
        %sub3A_172 = arith.subf %get3A_167, %get3A_171 : vector<16xf32>
        %swap3A_173 = arith.index_cast %scan3A_68 : i32 to index
        %swap3A_174 = arith.constant 112 : index
        %swap3A_175 = tpu.vector_load %arg11[%swap3A_173, %swap3A_174] {strides = array<i32>} : memref<64x512xf32, #tpu.memory_space<vmem>>, vector<1x16xf32>,
        %swap3A_176 = vector.shape_cast %swap3A_175 : vector<1x16xf32> to vector<16xf32>
        %swap3A_177 = vector.shape_cast %sub3A_172 : vector<16xf32> to vector<1x16xf32>
        tpu.vector_store %arg11[%swap3A_173, %swap3A_174], %swap3A_177 {strides = array<i32>} : memref<64x512xf32, #tpu.memory_space<vmem>>, vector<1x16xf32>,
        %get3A_178 = arith.index_cast %scan3A_68 : i32 to index
        %get3A_179 = arith.constant 128 : index
        %get3A_180 = tpu.vector_load %arg11[%get3A_178, %get3A_179] {strides = array<i32>} : memref<64x512xf32, #tpu.memory_space<vmem>>, vector<1x16xf32>,
        %get3A_181 = vector.shape_cast %get3A_180 : vector<1x16xf32> to vector<16xf32>
        %get3A_182 = arith.index_cast %scan3A_68 : i32 to index
        %get3A_183 = arith.constant 128 : index
        %get3A_184 = tpu.vector_load %arg12[%get3A_182, %get3A_183] {strides = array<i32>} : memref<64x512xf32, #tpu.memory_space<vmem>>, vector<1x16xf32>,
        %get3A_185 = vector.shape_cast %get3A_184 : vector<1x16xf32> to vector<16xf32>
        %sub3A_186 = arith.subf %get3A_181, %get3A_185 : vector<16xf32>
        %swap3A_187 = arith.index_cast %scan3A_68 : i32 to index
        %swap3A_188 = arith.constant 128 : index
        %swap3A_189 = tpu.vector_load %arg11[%swap3A_187, %swap3A_188] {strides = array<i32>} : memref<64x512xf32, #tpu.memory_space<vmem>>, vector<1x16xf32>,
        %swap3A_190 = vector.shape_cast %swap3A_189 : vector<1x16xf32> to vector<16xf32>
        %swap3A_191 = vector.shape_cast %sub3A_186 : vector<16xf32> to vector<1x16xf32>
        tpu.vector_store %arg11[%swap3A_187, %swap3A_188], %swap3A_191 {strides = array<i32>} : memref<64x512xf32, #tpu.memory_space<vmem>>, vector<1x16xf32>,
        %get3A_192 = arith.index_cast %scan3A_68 : i32 to index
        %get3A_193 = arith.constant 144 : index
        %get3A_194 = tpu.vector_load %arg11[%get3A_192, %get3A_193] {strides = array<i32>} : memref<64x512xf32, #tpu.memory_space<vmem>>, vector<1x16xf32>,
        %get3A_195 = vector.shape_cast %get3A_194 : vector<1x16xf32> to vector<16xf32>
        %get3A_196 = arith.index_cast %scan3A_68 : i32 to index
        %get3A_197 = arith.constant 144 : index
        %get3A_198 = tpu.vector_load %arg12[%get3A_196, %get3A_197] {strides = array<i32>} : memref<64x512xf32, #tpu.memory_space<vmem>>, vector<1x16xf32>,
        %get3A_199 = vector.shape_cast %get3A_198 : vector<1x16xf32> to vector<16xf32>
        %sub3A_200 = arith.subf %get3A_195, %get3A_199 : vector<16xf32>
        %swap3A_201 = arith.index_cast %scan3A_68 : i32 to index
        %swap3A_202 = arith.constant 144 : index
        %swap3A_203 = tpu.vector_load %arg11[%swap3A_201, %swap3A_202] {strides = array<i32>} : memref<64x512xf32, #tpu.memory_space<vmem>>, vector<1x16xf32>,
        %swap3A_204 = vector.shape_cast %swap3A_203 : vector<1x16xf32> to vector<16xf32>
        %swap3A_205 = vector.shape_cast %sub3A_200 : vector<16xf32> to vector<1x16xf32>
        tpu.vector_store %arg11[%swap3A_201, %swap3A_202], %swap3A_205 {strides = array<i32>} : memref<64x512xf32, #tpu.memory_space<vmem>>, vector<1x16xf32>,
        %get3A_206 = arith.index_cast %scan3A_68 : i32 to index
        %get3A_207 = arith.constant 160 : index
        %get3A_208 = tpu.vector_load %arg11[%get3A_206, %get3A_207] {strides = array<i32>} : memref<64x512xf32, #tpu.memory_space<vmem>>, vector<1x16xf32>,
        %get3A_209 = vector.shape_cast %get3A_208 : vector<1x16xf32> to vector<16xf32>
        %get3A_210 = arith.index_cast %scan3A_68 : i32 to index
        %get3A_211 = arith.constant 160 : index
        %get3A_212 = tpu.vector_load %arg12[%get3A_210, %get3A_211] {strides = array<i32>} : memref<64x512xf32, #tpu.memory_space<vmem>>, vector<1x16xf32>,
        %get3A_213 = vector.shape_cast %get3A_212 : vector<1x16xf32> to vector<16xf32>
        %sub3A_214 = arith.subf %get3A_209, %get3A_213 : vector<16xf32>
        %swap3A_215 = arith.index_cast %scan3A_68 : i32 to index
        %swap3A_216 = arith.constant 160 : index
        %swap3A_217 = tpu.vector_load %arg11[%swap3A_215, %swap3A_216] {strides = array<i32>} : memref<64x512xf32, #tpu.memory_space<vmem>>, vector<1x16xf32>,
        %swap3A_218 = vector.shape_cast %swap3A_217 : vector<1x16xf32> to vector<16xf32>
        %swap3A_219 = vector.shape_cast %sub3A_214 : vector<16xf32> to vector<1x16xf32>
        tpu.vector_store %arg11[%swap3A_215, %swap3A_216], %swap3A_219 {strides = array<i32>} : memref<64x512xf32, #tpu.memory_space<vmem>>, vector<1x16xf32>,
        %get3A_220 = arith.index_cast %scan3A_68 : i32 to index
        %get3A_221 = arith.constant 176 : index
        %get3A_222 = tpu.vector_load %arg11[%get3A_220, %get3A_221] {strides = array<i32>} : memref<64x512xf32, #tpu.memory_space<vmem>>, vector<1x16xf32>,
        %get3A_223 = vector.shape_cast %get3A_222 : vector<1x16xf32> to vector<16xf32>
        %get3A_224 = arith.index_cast %scan3A_68 : i32 to index
        %get3A_225 = arith.constant 176 : index
        %get3A_226 = tpu.vector_load %arg12[%get3A_224, %get3A_225] {strides = array<i32>} : memref<64x512xf32, #tpu.memory_space<vmem>>, vector<1x16xf32>,
        %get3A_227 = vector.shape_cast %get3A_226 : vector<1x16xf32> to vector<16xf32>
        %sub3A_228 = arith.subf %get3A_223, %get3A_227 : vector<16xf32>
        %swap3A_229 = arith.index_cast %scan3A_68 : i32 to index
        %swap3A_230 = arith.constant 176 : index
        %swap3A_231 = tpu.vector_load %arg11[%swap3A_229, %swap3A_230] {strides = array<i32>} : memref<64x512xf32, #tpu.memory_space<vmem>>, vector<1x16xf32>,
        %swap3A_232 = vector.shape_cast %swap3A_231 : vector<1x16xf32> to vector<16xf32>
        %swap3A_233 = vector.shape_cast %sub3A_228 : vector<16xf32> to vector<1x16xf32>
        tpu.vector_store %arg11[%swap3A_229, %swap3A_230], %swap3A_233 {strides = array<i32>} : memref<64x512xf32, #tpu.memory_space<vmem>>, vector<1x16xf32>,
        %get3A_234 = arith.index_cast %scan3A_68 : i32 to index
        %get3A_235 = arith.constant 192 : index
        %get3A_236 = tpu.vector_load %arg11[%get3A_234, %get3A_235] {strides = array<i32>} : memref<64x512xf32, #tpu.memory_space<vmem>>, vector<1x16xf32>,
        %get3A_237 = vector.shape_cast %get3A_236 : vector<1x16xf32> to vector<16xf32>
        %get3A_238 = arith.index_cast %scan3A_68 : i32 to index
        %get3A_239 = arith.constant 192 : index
        %get3A_240 = tpu.vector_load %arg12[%get3A_238, %get3A_239] {strides = array<i32>} : memref<64x512xf32, #tpu.memory_space<vmem>>, vector<1x16xf32>,
        %get3A_241 = vector.shape_cast %get3A_240 : vector<1x16xf32> to vector<16xf32>
        %sub3A_242 = arith.subf %get3A_237, %get3A_241 : vector<16xf32>
        %swap3A_243 = arith.index_cast %scan3A_68 : i32 to index
        %swap3A_244 = arith.constant 192 : index
        %swap3A_245 = tpu.vector_load %arg11[%swap3A_243, %swap3A_244] {strides = array<i32>} : memref<64x512xf32, #tpu.memory_space<vmem>>, vector<1x16xf32>,
        %swap3A_246 = vector.shape_cast %swap3A_245 : vector<1x16xf32> to vector<16xf32>
        %swap3A_247 = vector.shape_cast %sub3A_242 : vector<16xf32> to vector<1x16xf32>
        tpu.vector_store %arg11[%swap3A_243, %swap3A_244], %swap3A_247 {strides = array<i32>} : memref<64x512xf32, #tpu.memory_space<vmem>>, vector<1x16xf32>,
        %get3A_248 = arith.index_cast %scan3A_68 : i32 to index
        %get3A_249 = arith.constant 208 : index
        %get3A_250 = tpu.vector_load %arg11[%get3A_248, %get3A_249] {strides = array<i32>} : memref<64x512xf32, #tpu.memory_space<vmem>>, vector<1x16xf32>,
        %get3A_251 = vector.shape_cast %get3A_250 : vector<1x16xf32> to vector<16xf32>
        %get3A_252 = arith.index_cast %scan3A_68 : i32 to index
        %get3A_253 = arith.constant 208 : index
        %get3A_254 = tpu.vector_load %arg12[%get3A_252, %get3A_253] {strides = array<i32>} : memref<64x512xf32, #tpu.memory_space<vmem>>, vector<1x16xf32>,
        %get3A_255 = vector.shape_cast %get3A_254 : vector<1x16xf32> to vector<16xf32>
        %sub3A_256 = arith.subf %get3A_251, %get3A_255 : vector<16xf32>
        %swap3A_257 = arith.index_cast %scan3A_68 : i32 to index
        %swap3A_258 = arith.constant 208 : index
        %swap3A_259 = tpu.vector_load %arg11[%swap3A_257, %swap3A_258] {strides = array<i32>} : memref<64x512xf32, #tpu.memory_space<vmem>>, vector<1x16xf32>,
        %swap3A_260 = vector.shape_cast %swap3A_259 : vector<1x16xf32> to vector<16xf32>
        %swap3A_261 = vector.shape_cast %sub3A_256 : vector<16xf32> to vector<1x16xf32>
        tpu.vector_store %arg11[%swap3A_257, %swap3A_258], %swap3A_261 {strides = array<i32>} : memref<64x512xf32, #tpu.memory_space<vmem>>, vector<1x16xf32>,
        %get3A_262 = arith.index_cast %scan3A_68 : i32 to index
        %get3A_263 = arith.constant 224 : index
        %get3A_264 = tpu.vector_load %arg11[%get3A_262, %get3A_263] {strides = array<i32>} : memref<64x512xf32, #tpu.memory_space<vmem>>, vector<1x16xf32>,
        %get3A_265 = vector.shape_cast %get3A_264 : vector<1x16xf32> to vector<16xf32>
        %get3A_266 = arith.index_cast %scan3A_68 : i32 to index
        %get3A_267 = arith.constant 224 : index
        %get3A_268 = tpu.vector_load %arg12[%get3A_266, %get3A_267] {strides = array<i32>} : memref<64x512xf32, #tpu.memory_space<vmem>>, vector<1x16xf32>,
        %get3A_269 = vector.shape_cast %get3A_268 : vector<1x16xf32> to vector<16xf32>
        %sub3A_270 = arith.subf %get3A_265, %get3A_269 : vector<16xf32>
        %swap3A_271 = arith.index_cast %scan3A_68 : i32 to index
        %swap3A_272 = arith.constant 224 : index
        %swap3A_273 = tpu.vector_load %arg11[%swap3A_271, %swap3A_272] {strides = array<i32>} : memref<64x512xf32, #tpu.memory_space<vmem>>, vector<1x16xf32>,
        %swap3A_274 = vector.shape_cast %swap3A_273 : vector<1x16xf32> to vector<16xf32>
        %swap3A_275 = vector.shape_cast %sub3A_270 : vector<16xf32> to vector<1x16xf32>
        tpu.vector_store %arg11[%swap3A_271, %swap3A_272], %swap3A_275 {strides = array<i32>} : memref<64x512xf32, #tpu.memory_space<vmem>>, vector<1x16xf32>,
        %get3A_276 = arith.index_cast %scan3A_68 : i32 to index
        %get3A_277 = arith.constant 240 : index
        %get3A_278 = tpu.vector_load %arg11[%get3A_276, %get3A_277] {strides = array<i32>} : memref<64x512xf32, #tpu.memory_space<vmem>>, vector<1x16xf32>,
        %get3A_279 = vector.shape_cast %get3A_278 : vector<1x16xf32> to vector<16xf32>
        %get3A_280 = arith.index_cast %scan3A_68 : i32 to index
        %get3A_281 = arith.constant 240 : index
        %get3A_282 = tpu.vector_load %arg12[%get3A_280, %get3A_281] {strides = array<i32>} : memref<64x512xf32, #tpu.memory_space<vmem>>, vector<1x16xf32>,
        %get3A_283 = vector.shape_cast %get3A_282 : vector<1x16xf32> to vector<16xf32>
        %sub3A_284 = arith.subf %get3A_279, %get3A_283 : vector<16xf32>
        %swap3A_285 = arith.index_cast %scan3A_68 : i32 to index
        %swap3A_286 = arith.constant 240 : index
        %swap3A_287 = tpu.vector_load %arg11[%swap3A_285, %swap3A_286] {strides = array<i32>} : memref<64x512xf32, #tpu.memory_space<vmem>>, vector<1x16xf32>,
        %swap3A_288 = vector.shape_cast %swap3A_287 : vector<1x16xf32> to vector<16xf32>
        %swap3A_289 = vector.shape_cast %sub3A_284 : vector<16xf32> to vector<1x16xf32>
        tpu.vector_store %arg11[%swap3A_285, %swap3A_286], %swap3A_289 {strides = array<i32>} : memref<64x512xf32, #tpu.memory_space<vmem>>, vector<1x16xf32>,
        %get3A_290 = arith.index_cast %scan3A_68 : i32 to index
        %get3A_291 = arith.constant 256 : index
        %get3A_292 = tpu.vector_load %arg11[%get3A_290, %get3A_291] {strides = array<i32>} : memref<64x512xf32, #tpu.memory_space<vmem>>, vector<1x16xf32>,
        %get3A_293 = vector.shape_cast %get3A_292 : vector<1x16xf32> to vector<16xf32>
        %get3A_294 = arith.index_cast %scan3A_68 : i32 to index
        %get3A_295 = arith.constant 256 : index
        %get3A_296 = tpu.vector_load %arg12[%get3A_294, %get3A_295] {strides = array<i32>} : memref<64x512xf32, #tpu.memory_space<vmem>>, vector<1x16xf32>,
        %get3A_297 = vector.shape_cast %get3A_296 : vector<1x16xf32> to vector<16xf32>
        %sub3A_298 = arith.subf %get3A_293, %get3A_297 : vector<16xf32>
        %swap3A_299 = arith.index_cast %scan3A_68 : i32 to index
        %swap3A_300 = arith.constant 256 : index
        %swap3A_301 = tpu.vector_load %arg11[%swap3A_299, %swap3A_300] {strides = array<i32>} : memref<64x512xf32, #tpu.memory_space<vmem>>, vector<1x16xf32>,
        %swap3A_302 = vector.shape_cast %swap3A_301 : vector<1x16xf32> to vector<16xf32>
        %swap3A_303 = vector.shape_cast %sub3A_298 : vector<16xf32> to vector<1x16xf32>
        tpu.vector_store %arg11[%swap3A_299, %swap3A_300], %swap3A_303 {strides = array<i32>} : memref<64x512xf32, #tpu.memory_space<vmem>>, vector<1x16xf32>,
        %get3A_304 = arith.index_cast %scan3A_68 : i32 to index
        %get3A_305 = arith.constant 272 : index
        %get3A_306 = tpu.vector_load %arg11[%get3A_304, %get3A_305] {strides = array<i32>} : memref<64x512xf32, #tpu.memory_space<vmem>>, vector<1x16xf32>,
        %get3A_307 = vector.shape_cast %get3A_306 : vector<1x16xf32> to vector<16xf32>
        %get3A_308 = arith.index_cast %scan3A_68 : i32 to index
        %get3A_309 = arith.constant 272 : index
        %get3A_310 = tpu.vector_load %arg12[%get3A_308, %get3A_309] {strides = array<i32>} : memref<64x512xf32, #tpu.memory_space<vmem>>, vector<1x16xf32>,
        %get3A_311 = vector.shape_cast %get3A_310 : vector<1x16xf32> to vector<16xf32>
        %sub3A_312 = arith.subf %get3A_307, %get3A_311 : vector<16xf32>
        %swap3A_313 = arith.index_cast %scan3A_68 : i32 to index
        %swap3A_314 = arith.constant 272 : index
        %swap3A_315 = tpu.vector_load %arg11[%swap3A_313, %swap3A_314] {strides = array<i32>} : memref<64x512xf32, #tpu.memory_space<vmem>>, vector<1x16xf32>,
        %swap3A_316 = vector.shape_cast %swap3A_315 : vector<1x16xf32> to vector<16xf32>
        %swap3A_317 = vector.shape_cast %sub3A_312 : vector<16xf32> to vector<1x16xf32>
        tpu.vector_store %arg11[%swap3A_313, %swap3A_314], %swap3A_317 {strides = array<i32>} : memref<64x512xf32, #tpu.memory_space<vmem>>, vector<1x16xf32>,
        %get3A_318 = arith.index_cast %scan3A_68 : i32 to index
        %get3A_319 = arith.constant 288 : index
        %get3A_320 = tpu.vector_load %arg11[%get3A_318, %get3A_319] {strides = array<i32>} : memref<64x512xf32, #tpu.memory_space<vmem>>, vector<1x16xf32>,
        %get3A_321 = vector.shape_cast %get3A_320 : vector<1x16xf32> to vector<16xf32>
        %get3A_322 = arith.index_cast %scan3A_68 : i32 to index
        %get3A_323 = arith.constant 288 : index
        %get3A_324 = tpu.vector_load %arg12[%get3A_322, %get3A_323] {strides = array<i32>} : memref<64x512xf32, #tpu.memory_space<vmem>>, vector<1x16xf32>,
        %get3A_325 = vector.shape_cast %get3A_324 : vector<1x16xf32> to vector<16xf32>
        %sub3A_326 = arith.subf %get3A_321, %get3A_325 : vector<16xf32>
        %swap3A_327 = arith.index_cast %scan3A_68 : i32 to index
        %swap3A_328 = arith.constant 288 : index
        %swap3A_329 = tpu.vector_load %arg11[%swap3A_327, %swap3A_328] {strides = array<i32>} : memref<64x512xf32, #tpu.memory_space<vmem>>, vector<1x16xf32>,
        %swap3A_330 = vector.shape_cast %swap3A_329 : vector<1x16xf32> to vector<16xf32>
        %swap3A_331 = vector.shape_cast %sub3A_326 : vector<16xf32> to vector<1x16xf32>
        tpu.vector_store %arg11[%swap3A_327, %swap3A_328], %swap3A_331 {strides = array<i32>} : memref<64x512xf32, #tpu.memory_space<vmem>>, vector<1x16xf32>,
        %get3A_332 = arith.index_cast %scan3A_68 : i32 to index
        %get3A_333 = arith.constant 304 : index
        %get3A_334 = tpu.vector_load %arg11[%get3A_332, %get3A_333] {strides = array<i32>} : memref<64x512xf32, #tpu.memory_space<vmem>>, vector<1x16xf32>,
        %get3A_335 = vector.shape_cast %get3A_334 : vector<1x16xf32> to vector<16xf32>
        %get3A_336 = arith.index_cast %scan3A_68 : i32 to index
        %get3A_337 = arith.constant 304 : index
        %get3A_338 = tpu.vector_load %arg12[%get3A_336, %get3A_337] {strides = array<i32>} : memref<64x512xf32, #tpu.memory_space<vmem>>, vector<1x16xf32>,
        %get3A_339 = vector.shape_cast %get3A_338 : vector<1x16xf32> to vector<16xf32>
        %sub3A_340 = arith.subf %get3A_335, %get3A_339 : vector<16xf32>
        %swap3A_341 = arith.index_cast %scan3A_68 : i32 to index
        %swap3A_342 = arith.constant 304 : index
        %swap3A_343 = tpu.vector_load %arg11[%swap3A_341, %swap3A_342] {strides = array<i32>} : memref<64x512xf32, #tpu.memory_space<vmem>>, vector<1x16xf32>,
        %swap3A_344 = vector.shape_cast %swap3A_343 : vector<1x16xf32> to vector<16xf32>
        %swap3A_345 = vector.shape_cast %sub3A_340 : vector<16xf32> to vector<1x16xf32>
        tpu.vector_store %arg11[%swap3A_341, %swap3A_342], %swap3A_345 {strides = array<i32>} : memref<64x512xf32, #tpu.memory_space<vmem>>, vector<1x16xf32>,
        %get3A_346 = arith.index_cast %scan3A_68 : i32 to index
        %get3A_347 = arith.constant 320 : index
        %get3A_348 = tpu.vector_load %arg11[%get3A_346, %get3A_347] {strides = array<i32>} : memref<64x512xf32, #tpu.memory_space<vmem>>, vector<1x16xf32>,
        %get3A_349 = vector.shape_cast %get3A_348 : vector<1x16xf32> to vector<16xf32>
        %get3A_350 = arith.index_cast %scan3A_68 : i32 to index
        %get3A_351 = arith.constant 320 : index
        %get3A_352 = tpu.vector_load %arg12[%get3A_350, %get3A_351] {strides = array<i32>} : memref<64x512xf32, #tpu.memory_space<vmem>>, vector<1x16xf32>,
        %get3A_353 = vector.shape_cast %get3A_352 : vector<1x16xf32> to vector<16xf32>
        %sub3A_354 = arith.subf %get3A_349, %get3A_353 : vector<16xf32>
        %swap3A_355 = arith.index_cast %scan3A_68 : i32 to index
        %swap3A_356 = arith.constant 320 : index
        %swap3A_357 = tpu.vector_load %arg11[%swap3A_355, %swap3A_356] {strides = array<i32>} : memref<64x512xf32, #tpu.memory_space<vmem>>, vector<1x16xf32>,
        %swap3A_358 = vector.shape_cast %swap3A_357 : vector<1x16xf32> to vector<16xf32>
        %swap3A_359 = vector.shape_cast %sub3A_354 : vector<16xf32> to vector<1x16xf32>
        tpu.vector_store %arg11[%swap3A_355, %swap3A_356], %swap3A_359 {strides = array<i32>} : memref<64x512xf32, #tpu.memory_space<vmem>>, vector<1x16xf32>,
        %get3A_360 = arith.index_cast %scan3A_68 : i32 to index
        %get3A_361 = arith.constant 336 : index
        %get3A_362 = tpu.vector_load %arg11[%get3A_360, %get3A_361] {strides = array<i32>} : memref<64x512xf32, #tpu.memory_space<vmem>>, vector<1x16xf32>,
        %get3A_363 = vector.shape_cast %get3A_362 : vector<1x16xf32> to vector<16xf32>
        %get3A_364 = arith.index_cast %scan3A_68 : i32 to index
        %get3A_365 = arith.constant 336 : index
        %get3A_366 = tpu.vector_load %arg12[%get3A_364, %get3A_365] {strides = array<i32>} : memref<64x512xf32, #tpu.memory_space<vmem>>, vector<1x16xf32>,
        %get3A_367 = vector.shape_cast %get3A_366 : vector<1x16xf32> to vector<16xf32>
        %sub3A_368 = arith.subf %get3A_363, %get3A_367 : vector<16xf32>
        %swap3A_369 = arith.index_cast %scan3A_68 : i32 to index
        %swap3A_370 = arith.constant 336 : index
        %swap3A_371 = tpu.vector_load %arg11[%swap3A_369, %swap3A_370] {strides = array<i32>} : memref<64x512xf32, #tpu.memory_space<vmem>>, vector<1x16xf32>,
        %swap3A_372 = vector.shape_cast %swap3A_371 : vector<1x16xf32> to vector<16xf32>
        %swap3A_373 = vector.shape_cast %sub3A_368 : vector<16xf32> to vector<1x16xf32>
        tpu.vector_store %arg11[%swap3A_369, %swap3A_370], %swap3A_373 {strides = array<i32>} : memref<64x512xf32, #tpu.memory_space<vmem>>, vector<1x16xf32>,
        %get3A_374 = arith.index_cast %scan3A_68 : i32 to index
        %get3A_375 = arith.constant 352 : index
        %get3A_376 = tpu.vector_load %arg11[%get3A_374, %get3A_375] {strides = array<i32>} : memref<64x512xf32, #tpu.memory_space<vmem>>, vector<1x16xf32>,
        %get3A_377 = vector.shape_cast %get3A_376 : vector<1x16xf32> to vector<16xf32>
        %get3A_378 = arith.index_cast %scan3A_68 : i32 to index
        %get3A_379 = arith.constant 352 : index
        %get3A_380 = tpu.vector_load %arg12[%get3A_378, %get3A_379] {strides = array<i32>} : memref<64x512xf32, #tpu.memory_space<vmem>>, vector<1x16xf32>,
        %get3A_381 = vector.shape_cast %get3A_380 : vector<1x16xf32> to vector<16xf32>
        %sub3A_382 = arith.subf %get3A_377, %get3A_381 : vector<16xf32>
        %swap3A_383 = arith.index_cast %scan3A_68 : i32 to index
        %swap3A_384 = arith.constant 352 : index
        %swap3A_385 = tpu.vector_load %arg11[%swap3A_383, %swap3A_384] {strides = array<i32>} : memref<64x512xf32, #tpu.memory_space<vmem>>, vector<1x16xf32>,
        %swap3A_386 = vector.shape_cast %swap3A_385 : vector<1x16xf32> to vector<16xf32>
        %swap3A_387 = vector.shape_cast %sub3A_382 : vector<16xf32> to vector<1x16xf32>
        tpu.vector_store %arg11[%swap3A_383, %swap3A_384], %swap3A_387 {strides = array<i32>} : memref<64x512xf32, #tpu.memory_space<vmem>>, vector<1x16xf32>,
        %get3A_388 = arith.index_cast %scan3A_68 : i32 to index
        %get3A_389 = arith.constant 368 : index
        %get3A_390 = tpu.vector_load %arg11[%get3A_388, %get3A_389] {strides = array<i32>} : memref<64x512xf32, #tpu.memory_space<vmem>>, vector<1x16xf32>,
        %get3A_391 = vector.shape_cast %get3A_390 : vector<1x16xf32> to vector<16xf32>
        %get3A_392 = arith.index_cast %scan3A_68 : i32 to index
        %get3A_393 = arith.constant 368 : index
        %get3A_394 = tpu.vector_load %arg12[%get3A_392, %get3A_393] {strides = array<i32>} : memref<64x512xf32, #tpu.memory_space<vmem>>, vector<1x16xf32>,
        %get3A_395 = vector.shape_cast %get3A_394 : vector<1x16xf32> to vector<16xf32>
        %sub3A_396 = arith.subf %get3A_391, %get3A_395 : vector<16xf32>
        %swap3A_397 = arith.index_cast %scan3A_68 : i32 to index
        %swap3A_398 = arith.constant 368 : index
        %swap3A_399 = tpu.vector_load %arg11[%swap3A_397, %swap3A_398] {strides = array<i32>} : memref<64x512xf32, #tpu.memory_space<vmem>>, vector<1x16xf32>,
        %swap3A_400 = vector.shape_cast %swap3A_399 : vector<1x16xf32> to vector<16xf32>
        %swap3A_401 = vector.shape_cast %sub3A_396 : vector<16xf32> to vector<1x16xf32>
        tpu.vector_store %arg11[%swap3A_397, %swap3A_398], %swap3A_401 {strides = array<i32>} : memref<64x512xf32, #tpu.memory_space<vmem>>, vector<1x16xf32>,
        %get3A_402 = arith.index_cast %scan3A_68 : i32 to index
        %get3A_403 = arith.constant 384 : index
        %get3A_404 = tpu.vector_load %arg11[%get3A_402, %get3A_403] {strides = array<i32>} : memref<64x512xf32, #tpu.memory_space<vmem>>, vector<1x16xf32>,
        %get3A_405 = vector.shape_cast %get3A_404 : vector<1x16xf32> to vector<16xf32>
        %get3A_406 = arith.index_cast %scan3A_68 : i32 to index
        %get3A_407 = arith.constant 384 : index
        %get3A_408 = tpu.vector_load %arg12[%get3A_406, %get3A_407] {strides = array<i32>} : memref<64x512xf32, #tpu.memory_space<vmem>>, vector<1x16xf32>,
        %get3A_409 = vector.shape_cast %get3A_408 : vector<1x16xf32> to vector<16xf32>
        %sub3A_410 = arith.subf %get3A_405, %get3A_409 : vector<16xf32>
        %swap3A_411 = arith.index_cast %scan3A_68 : i32 to index
        %swap3A_412 = arith.constant 384 : index
        %swap3A_413 = tpu.vector_load %arg11[%swap3A_411, %swap3A_412] {strides = array<i32>} : memref<64x512xf32, #tpu.memory_space<vmem>>, vector<1x16xf32>,
        %swap3A_414 = vector.shape_cast %swap3A_413 : vector<1x16xf32> to vector<16xf32>
        %swap3A_415 = vector.shape_cast %sub3A_410 : vector<16xf32> to vector<1x16xf32>
        tpu.vector_store %arg11[%swap3A_411, %swap3A_412], %swap3A_415 {strides = array<i32>} : memref<64x512xf32, #tpu.memory_space<vmem>>, vector<1x16xf32>,
        %get3A_416 = arith.index_cast %scan3A_68 : i32 to index
        %get3A_417 = arith.constant 400 : index
        %get3A_418 = tpu.vector_load %arg11[%get3A_416, %get3A_417] {strides = array<i32>} : memref<64x512xf32, #tpu.memory_space<vmem>>, vector<1x16xf32>,
        %get3A_419 = vector.shape_cast %get3A_418 : vector<1x16xf32> to vector<16xf32>
        %get3A_420 = arith.index_cast %scan3A_68 : i32 to index
        %get3A_421 = arith.constant 400 : index
        %get3A_422 = tpu.vector_load %arg12[%get3A_420, %get3A_421] {strides = array<i32>} : memref<64x512xf32, #tpu.memory_space<vmem>>, vector<1x16xf32>,
        %get3A_423 = vector.shape_cast %get3A_422 : vector<1x16xf32> to vector<16xf32>
        %sub3A_424 = arith.subf %get3A_419, %get3A_423 : vector<16xf32>
        %swap3A_425 = arith.index_cast %scan3A_68 : i32 to index
        %swap3A_426 = arith.constant 400 : index
        %swap3A_427 = tpu.vector_load %arg11[%swap3A_425, %swap3A_426] {strides = array<i32>} : memref<64x512xf32, #tpu.memory_space<vmem>>, vector<1x16xf32>,
        %swap3A_428 = vector.shape_cast %swap3A_427 : vector<1x16xf32> to vector<16xf32>
        %swap3A_429 = vector.shape_cast %sub3A_424 : vector<16xf32> to vector<1x16xf32>
        tpu.vector_store %arg11[%swap3A_425, %swap3A_426], %swap3A_429 {strides = array<i32>} : memref<64x512xf32, #tpu.memory_space<vmem>>, vector<1x16xf32>,
        %get3A_430 = arith.index_cast %scan3A_68 : i32 to index
        %get3A_431 = arith.constant 416 : index
        %get3A_432 = tpu.vector_load %arg11[%get3A_430, %get3A_431] {strides = array<i32>} : memref<64x512xf32, #tpu.memory_space<vmem>>, vector<1x16xf32>,
        %get3A_433 = vector.shape_cast %get3A_432 : vector<1x16xf32> to vector<16xf32>
        %get3A_434 = arith.index_cast %scan3A_68 : i32 to index
        %get3A_435 = arith.constant 416 : index
        %get3A_436 = tpu.vector_load %arg12[%get3A_434, %get3A_435] {strides = array<i32>} : memref<64x512xf32, #tpu.memory_space<vmem>>, vector<1x16xf32>,
        %get3A_437 = vector.shape_cast %get3A_436 : vector<1x16xf32> to vector<16xf32>
        %sub3A_438 = arith.subf %get3A_433, %get3A_437 : vector<16xf32>
        %swap3A_439 = arith.index_cast %scan3A_68 : i32 to index
        %swap3A_440 = arith.constant 416 : index
        %swap3A_441 = tpu.vector_load %arg11[%swap3A_439, %swap3A_440] {strides = array<i32>} : memref<64x512xf32, #tpu.memory_space<vmem>>, vector<1x16xf32>,
        %swap3A_442 = vector.shape_cast %swap3A_441 : vector<1x16xf32> to vector<16xf32>
        %swap3A_443 = vector.shape_cast %sub3A_438 : vector<16xf32> to vector<1x16xf32>
        tpu.vector_store %arg11[%swap3A_439, %swap3A_440], %swap3A_443 {strides = array<i32>} : memref<64x512xf32, #tpu.memory_space<vmem>>, vector<1x16xf32>,
        %get3A_444 = arith.index_cast %scan3A_68 : i32 to index
        %get3A_445 = arith.constant 432 : index
        %get3A_446 = tpu.vector_load %arg11[%get3A_444, %get3A_445] {strides = array<i32>} : memref<64x512xf32, #tpu.memory_space<vmem>>, vector<1x16xf32>,
        %get3A_447 = vector.shape_cast %get3A_446 : vector<1x16xf32> to vector<16xf32>
        %get3A_448 = arith.index_cast %scan3A_68 : i32 to index
        %get3A_449 = arith.constant 432 : index
        %get3A_450 = tpu.vector_load %arg12[%get3A_448, %get3A_449] {strides = array<i32>} : memref<64x512xf32, #tpu.memory_space<vmem>>, vector<1x16xf32>,
        %get3A_451 = vector.shape_cast %get3A_450 : vector<1x16xf32> to vector<16xf32>
        %sub3A_452 = arith.subf %get3A_447, %get3A_451 : vector<16xf32>
        %swap3A_453 = arith.index_cast %scan3A_68 : i32 to index
        %swap3A_454 = arith.constant 432 : index
        %swap3A_455 = tpu.vector_load %arg11[%swap3A_453, %swap3A_454] {strides = array<i32>} : memref<64x512xf32, #tpu.memory_space<vmem>>, vector<1x16xf32>,
        %swap3A_456 = vector.shape_cast %swap3A_455 : vector<1x16xf32> to vector<16xf32>
        %swap3A_457 = vector.shape_cast %sub3A_452 : vector<16xf32> to vector<1x16xf32>
        tpu.vector_store %arg11[%swap3A_453, %swap3A_454], %swap3A_457 {strides = array<i32>} : memref<64x512xf32, #tpu.memory_space<vmem>>, vector<1x16xf32>,
        %get3A_458 = arith.index_cast %scan3A_68 : i32 to index
        %get3A_459 = arith.constant 448 : index
        %get3A_460 = tpu.vector_load %arg11[%get3A_458, %get3A_459] {strides = array<i32>} : memref<64x512xf32, #tpu.memory_space<vmem>>, vector<1x16xf32>,
        %get3A_461 = vector.shape_cast %get3A_460 : vector<1x16xf32> to vector<16xf32>
        %get3A_462 = arith.index_cast %scan3A_68 : i32 to index
        %get3A_463 = arith.constant 448 : index
        %get3A_464 = tpu.vector_load %arg12[%get3A_462, %get3A_463] {strides = array<i32>} : memref<64x512xf32, #tpu.memory_space<vmem>>, vector<1x16xf32>,
        %get3A_465 = vector.shape_cast %get3A_464 : vector<1x16xf32> to vector<16xf32>
        %sub3A_466 = arith.subf %get3A_461, %get3A_465 : vector<16xf32>
        %swap3A_467 = arith.index_cast %scan3A_68 : i32 to index
        %swap3A_468 = arith.constant 448 : index
        %swap3A_469 = tpu.vector_load %arg11[%swap3A_467, %swap3A_468] {strides = array<i32>} : memref<64x512xf32, #tpu.memory_space<vmem>>, vector<1x16xf32>,
        %swap3A_470 = vector.shape_cast %swap3A_469 : vector<1x16xf32> to vector<16xf32>
        %swap3A_471 = vector.shape_cast %sub3A_466 : vector<16xf32> to vector<1x16xf32>
        tpu.vector_store %arg11[%swap3A_467, %swap3A_468], %swap3A_471 {strides = array<i32>} : memref<64x512xf32, #tpu.memory_space<vmem>>, vector<1x16xf32>,
        %get3A_472 = arith.index_cast %scan3A_68 : i32 to index
        %get3A_473 = arith.constant 464 : index
        %get3A_474 = tpu.vector_load %arg11[%get3A_472, %get3A_473] {strides = array<i32>} : memref<64x512xf32, #tpu.memory_space<vmem>>, vector<1x16xf32>,
        %get3A_475 = vector.shape_cast %get3A_474 : vector<1x16xf32> to vector<16xf32>
        %get3A_476 = arith.index_cast %scan3A_68 : i32 to index
        %get3A_477 = arith.constant 464 : index
        %get3A_478 = tpu.vector_load %arg12[%get3A_476, %get3A_477] {strides = array<i32>} : memref<64x512xf32, #tpu.memory_space<vmem>>, vector<1x16xf32>,
        %get3A_479 = vector.shape_cast %get3A_478 : vector<1x16xf32> to vector<16xf32>
        %sub3A_480 = arith.subf %get3A_475, %get3A_479 : vector<16xf32>
        %swap3A_481 = arith.index_cast %scan3A_68 : i32 to index
        %swap3A_482 = arith.constant 464 : index
        %swap3A_483 = tpu.vector_load %arg11[%swap3A_481, %swap3A_482] {strides = array<i32>} : memref<64x512xf32, #tpu.memory_space<vmem>>, vector<1x16xf32>,
        %swap3A_484 = vector.shape_cast %swap3A_483 : vector<1x16xf32> to vector<16xf32>
        %swap3A_485 = vector.shape_cast %sub3A_480 : vector<16xf32> to vector<1x16xf32>
        tpu.vector_store %arg11[%swap3A_481, %swap3A_482], %swap3A_485 {strides = array<i32>} : memref<64x512xf32, #tpu.memory_space<vmem>>, vector<1x16xf32>,
        %get3A_486 = arith.index_cast %scan3A_68 : i32 to index
        %get3A_487 = arith.constant 480 : index
        %get3A_488 = tpu.vector_load %arg11[%get3A_486, %get3A_487] {strides = array<i32>} : memref<64x512xf32, #tpu.memory_space<vmem>>, vector<1x16xf32>,
        %get3A_489 = vector.shape_cast %get3A_488 : vector<1x16xf32> to vector<16xf32>
        %get3A_490 = arith.index_cast %scan3A_68 : i32 to index
        %get3A_491 = arith.constant 480 : index
        %get3A_492 = tpu.vector_load %arg12[%get3A_490, %get3A_491] {strides = array<i32>} : memref<64x512xf32, #tpu.memory_space<vmem>>, vector<1x16xf32>,
        %get3A_493 = vector.shape_cast %get3A_492 : vector<1x16xf32> to vector<16xf32>
        %sub3A_494 = arith.subf %get3A_489, %get3A_493 : vector<16xf32>
        %swap3A_495 = arith.index_cast %scan3A_68 : i32 to index
        %swap3A_496 = arith.constant 480 : index
        %swap3A_497 = tpu.vector_load %arg11[%swap3A_495, %swap3A_496] {strides = array<i32>} : memref<64x512xf32, #tpu.memory_space<vmem>>, vector<1x16xf32>,
        %swap3A_498 = vector.shape_cast %swap3A_497 : vector<1x16xf32> to vector<16xf32>
        %swap3A_499 = vector.shape_cast %sub3A_494 : vector<16xf32> to vector<1x16xf32>
        tpu.vector_store %arg11[%swap3A_495, %swap3A_496], %swap3A_499 {strides = array<i32>} : memref<64x512xf32, #tpu.memory_space<vmem>>, vector<1x16xf32>,
        %get3A_500 = arith.index_cast %scan3A_68 : i32 to index
        %get3A_501 = arith.constant 496 : index
        %get3A_502 = tpu.vector_load %arg11[%get3A_500, %get3A_501] {strides = array<i32>} : memref<64x512xf32, #tpu.memory_space<vmem>>, vector<1x16xf32>,
        %get3A_503 = vector.shape_cast %get3A_502 : vector<1x16xf32> to vector<16xf32>
        %get3A_504 = arith.index_cast %scan3A_68 : i32 to index
        %get3A_505 = arith.constant 496 : index
        %get3A_506 = tpu.vector_load %arg12[%get3A_504, %get3A_505] {strides = array<i32>} : memref<64x512xf32, #tpu.memory_space<vmem>>, vector<1x16xf32>,
        %get3A_507 = vector.shape_cast %get3A_506 : vector<1x16xf32> to vector<16xf32>
        %sub3A_508 = arith.subf %get3A_503, %get3A_507 : vector<16xf32>
        %swap3A_509 = arith.index_cast %scan3A_68 : i32 to index
        %swap3A_510 = arith.constant 496 : index
        %swap3A_511 = tpu.vector_load %arg11[%swap3A_509, %swap3A_510] {strides = array<i32>} : memref<64x512xf32, #tpu.memory_space<vmem>>, vector<1x16xf32>,
        %swap3A_512 = vector.shape_cast %swap3A_511 : vector<1x16xf32> to vector<16xf32>
        %swap3A_513 = vector.shape_cast %sub3A_508 : vector<16xf32> to vector<1x16xf32>
        tpu.vector_store %arg11[%swap3A_509, %swap3A_510], %swap3A_513 {strides = array<i32>} : memref<64x512xf32, #tpu.memory_space<vmem>>, vector<1x16xf32>,
      }
      %scan3A_50 = arith.constant 64 : i32
      %add3A_51 = arith.addi %mul3A_2, %mul3A_16 : i32
      %dma_start3A_52 = arith.constant 0 : i32
      %dma_start3A_53 = tpu.memref_slice %arg6[%add3A_51, %dma_start3A_52] : memref<16384x512xf32, #tpu.memory_space<hbm>> -> memref<64x512xf32, #tpu.memory_space<hbm>>
      %dma_start3A_54 = arith.constant 0 : i32
      %dma_start3A_55 = tpu.memref_slice %arg6[%add3A_51, %dma_start3A_54] : memref<16384x512xf32, #tpu.memory_space<hbm>> -> memref<64x512xf32, #tpu.memory_space<hbm>>
      tpu.enqueue_dma source(%arg11 : memref<64x512xf32, #tpu.memory_space<vmem>>) target(%dma_start3A_55 : memref<64x512xf32, #tpu.memory_space<hbm>>) target_semaphore(%arg15 : memref<!tpu.dma_semaphore, #tpu.memory_space<semaphore_mem>>)
      %dma_start3A_56 = tpu.memref_slice %arg7[%add3A_51] : memref<16384xi32, #tpu.memory_space<hbm>> -> memref<64xi32, #tpu.memory_space<hbm>>
      %dma_start3A_57 = tpu.memref_slice %arg7[%add3A_51] : memref<16384xi32, #tpu.memory_space<hbm>> -> memref<64xi32, #tpu.memory_space<hbm>>
      tpu.enqueue_dma source(%arg13 : memref<64xi32, #tpu.memory_space<vmem>>) target(%dma_start3A_57 : memref<64xi32, #tpu.memory_space<hbm>>) target_semaphore(%arg15 : memref<!tpu.dma_semaphore, #tpu.memory_space<semaphore_mem>>)
      %dma_start3A_58 = tpu.memref_slice %arg8[%add3A_51] : memref<16384xi32, #tpu.memory_space<hbm>> -> memref<64xi32, #tpu.memory_space<hbm>>
      %dma_start3A_59 = tpu.memref_slice %arg8[%add3A_51] : memref<16384xi32, #tpu.memory_space<hbm>> -> memref<64xi32, #tpu.memory_space<hbm>>
      tpu.enqueue_dma source(%arg14 : memref<64xi32, #tpu.memory_space<vmem>>) target(%dma_start3A_59 : memref<64xi32, #tpu.memory_space<hbm>>) target_semaphore(%arg15 : memref<!tpu.dma_semaphore, #tpu.memory_space<semaphore_mem>>)
      %dma_wait3A_60 = arith.constant 0 : i32
      %dma_wait3A_61 = tpu.memref_slice %arg6[%add3A_51, %dma_wait3A_60] : memref<16384x512xf32, #tpu.memory_space<hbm>> -> memref<64x512xf32, #tpu.memory_space<hbm>>
      %dma_wait3A_62 = arith.constant 0 : i32
      %dma_wait3A_63 = tpu.memref_slice %arg6[%add3A_51, %dma_wait3A_62] : memref<16384x512xf32, #tpu.memory_space<hbm>> -> memref<64x512xf32, #tpu.memory_space<hbm>>
      tpu.wait_dma2 semaphore(%arg15 : memref<!tpu.dma_semaphore, #tpu.memory_space<semaphore_mem>>) src(%arg11 : memref<64x512xf32, #tpu.memory_space<vmem>>) dst(%dma_wait3A_63 : memref<64x512xf32, #tpu.memory_space<hbm>>)
      %dma_wait3A_64 = tpu.memref_slice %arg7[%add3A_51] : memref<16384xi32, #tpu.memory_space<hbm>> -> memref<64xi32, #tpu.memory_space<hbm>>
      %dma_wait3A_65 = tpu.memref_slice %arg7[%add3A_51] : memref<16384xi32, #tpu.memory_space<hbm>> -> memref<64xi32, #tpu.memory_space<hbm>>
      tpu.wait_dma2 semaphore(%arg15 : memref<!tpu.dma_semaphore, #tpu.memory_space<semaphore_mem>>) src(%arg13 : memref<64xi32, #tpu.memory_space<vmem>>) dst(%dma_wait3A_65 : memref<64xi32, #tpu.memory_space<hbm>>)
      %dma_wait3A_66 = tpu.memref_slice %arg8[%add3A_51] : memref<16384xi32, #tpu.memory_space<hbm>> -> memref<64xi32, #tpu.memory_space<hbm>>
      %dma_wait3A_67 = tpu.memref_slice %arg8[%add3A_51] : memref<16384xi32, #tpu.memory_space<hbm>> -> memref<64xi32, #tpu.memory_space<hbm>>
      tpu.wait_dma2 semaphore(%arg15 : memref<!tpu.dma_semaphore, #tpu.memory_space<semaphore_mem>>) src(%arg14 : memref<64xi32, #tpu.memory_space<vmem>>) dst(%dma_wait3A_67 : memref<64xi32, #tpu.memory_space<hbm>>)
    }
    %scan3A_13 = arith.constant 8 : i32
    return
  }
}

#map = affine_map<(d0, d1) -> (0)>
#map1 = affine_map<(d0, d1) -> (0, 0)>
module attributes {stable_mosaic.version = 14 : i64} {
  func.func @body(%arg0: i32, %arg1: i32, %arg2: memref<16384xi32, #tpu.memory_space<hbm>>, %arg3: memref<16384xi32, #tpu.memory_space<hbm>>, %arg4: memref<16384xi32, #tpu.memory_space<hbm>>, %arg5: memref<102400x128xf32, #tpu.memory_space<hbm>>, %arg6: memref<102400x128xf32, #tpu.memory_space<hbm>>, %arg7: memref<16384x512xf32, #tpu.memory_space<hbm>>, %arg8: memref<16384x128xf32, #tpu.memory_space<hbm>>, %arg9: memref<16384x128xf32, #tpu.memory_space<hbm>>, %arg10: memref<16384x128xf32, #tpu.memory_space<hbm>>, %arg11: memref<512xi32, #tpu.memory_space<vmem>>, %arg12: memref<512xi32, #tpu.memory_space<vmem>>, %arg13: memref<512xi32, #tpu.memory_space<vmem>>, %arg14: memref<128x128xf32, #tpu.memory_space<vmem>>, %arg15: memref<128x128xf32, #tpu.memory_space<vmem>>, %arg16: memref<128x128xf32, #tpu.memory_space<vmem>>, %arg17: memref<!tpu.dma_semaphore, #tpu.memory_space<semaphore_mem>>) attributes {dimension_semantics = [#tpu.dimension_semantics<core_parallel>, #tpu.dimension_semantics<subcore_parallel>], iteration_bounds = array<i64: 2, 16>, scalar_prefetch = 0 : i64, scratch_operands = 7 : i64, tpu.core_type = #tpu.core_type<sc_vector_subcore>, window_params = [{transform_indices = #map}, {transform_indices = #map}, {transform_indices = #map}, {transform_indices = #map1}, {transform_indices = #map1}, {transform_indices = #map1}, {transform_indices = #map1}, {transform_indices = #map1}, {transform_indices = #map1}]} {
    %mul3A = arith.constant 2 : i32
    %mul3A_0 = arith.muli %arg1, %mul3A : i32
    %add3A = arith.addi %mul3A_0, %arg0 : i32
    %mul3A_1 = arith.constant 512 : i32
    %mul3A_2 = arith.muli %add3A, %mul3A_1 : i32
    %dma_start3A = tpu.memref_slice %arg2[%mul3A_2] : memref<16384xi32, #tpu.memory_space<hbm>> -> memref<512xi32, #tpu.memory_space<hbm>>
    %dma_start3A_3 = tpu.memref_slice %arg2[%mul3A_2] : memref<16384xi32, #tpu.memory_space<hbm>> -> memref<512xi32, #tpu.memory_space<hbm>>
    tpu.enqueue_dma source(%dma_start3A_3 : memref<512xi32, #tpu.memory_space<hbm>>) target(%arg11 : memref<512xi32, #tpu.memory_space<vmem>>) target_semaphore(%arg17 : memref<!tpu.dma_semaphore, #tpu.memory_space<semaphore_mem>>)
    %dma_start3A_4 = tpu.memref_slice %arg3[%mul3A_2] : memref<16384xi32, #tpu.memory_space<hbm>> -> memref<512xi32, #tpu.memory_space<hbm>>
    %dma_start3A_5 = tpu.memref_slice %arg3[%mul3A_2] : memref<16384xi32, #tpu.memory_space<hbm>> -> memref<512xi32, #tpu.memory_space<hbm>>
    tpu.enqueue_dma source(%dma_start3A_5 : memref<512xi32, #tpu.memory_space<hbm>>) target(%arg12 : memref<512xi32, #tpu.memory_space<vmem>>) target_semaphore(%arg17 : memref<!tpu.dma_semaphore, #tpu.memory_space<semaphore_mem>>)
    %dma_start3A_6 = tpu.memref_slice %arg4[%mul3A_2] : memref<16384xi32, #tpu.memory_space<hbm>> -> memref<512xi32, #tpu.memory_space<hbm>>
    %dma_start3A_7 = tpu.memref_slice %arg4[%mul3A_2] : memref<16384xi32, #tpu.memory_space<hbm>> -> memref<512xi32, #tpu.memory_space<hbm>>
    tpu.enqueue_dma source(%dma_start3A_7 : memref<512xi32, #tpu.memory_space<hbm>>) target(%arg13 : memref<512xi32, #tpu.memory_space<vmem>>) target_semaphore(%arg17 : memref<!tpu.dma_semaphore, #tpu.memory_space<semaphore_mem>>)
    %dma_wait3A = tpu.memref_slice %arg2[%mul3A_2] : memref<16384xi32, #tpu.memory_space<hbm>> -> memref<512xi32, #tpu.memory_space<hbm>>
    %dma_wait3A_8 = tpu.memref_slice %arg2[%mul3A_2] : memref<16384xi32, #tpu.memory_space<hbm>> -> memref<512xi32, #tpu.memory_space<hbm>>
    tpu.wait_dma2 semaphore(%arg17 : memref<!tpu.dma_semaphore, #tpu.memory_space<semaphore_mem>>) src(%dma_wait3A_8 : memref<512xi32, #tpu.memory_space<hbm>>) dst(%arg11 : memref<512xi32, #tpu.memory_space<vmem>>)
    %dma_wait3A_9 = tpu.memref_slice %arg3[%mul3A_2] : memref<16384xi32, #tpu.memory_space<hbm>> -> memref<512xi32, #tpu.memory_space<hbm>>
    %dma_wait3A_10 = tpu.memref_slice %arg3[%mul3A_2] : memref<16384xi32, #tpu.memory_space<hbm>> -> memref<512xi32, #tpu.memory_space<hbm>>
    tpu.wait_dma2 semaphore(%arg17 : memref<!tpu.dma_semaphore, #tpu.memory_space<semaphore_mem>>) src(%dma_wait3A_10 : memref<512xi32, #tpu.memory_space<hbm>>) dst(%arg12 : memref<512xi32, #tpu.memory_space<vmem>>)
    %dma_wait3A_11 = tpu.memref_slice %arg4[%mul3A_2] : memref<16384xi32, #tpu.memory_space<hbm>> -> memref<512xi32, #tpu.memory_space<hbm>>
    %dma_wait3A_12 = tpu.memref_slice %arg4[%mul3A_2] : memref<16384xi32, #tpu.memory_space<hbm>> -> memref<512xi32, #tpu.memory_space<hbm>>
    tpu.wait_dma2 semaphore(%arg17 : memref<!tpu.dma_semaphore, #tpu.memory_space<semaphore_mem>>) src(%dma_wait3A_12 : memref<512xi32, #tpu.memory_space<hbm>>) dst(%arg13 : memref<512xi32, #tpu.memory_space<vmem>>)
    %scan3A = arith.constant 0 : i32
    %scan3A_13 = arith.constant 0 : i32
    %scan3A_14 = arith.constant 4 : i32
    %scan3A_15 = arith.addi %scan3A_13, %scan3A_14 : i32
    %scan3A_16 = arith.constant 1 : i32
    scf.for %scan3A_18 = %scan3A_13 to %scan3A_15 step %scan3A_16  : i32 {
      %mul3A_19 = arith.constant 128 : i32
      %mul3A_20 = arith.muli %scan3A_18, %mul3A_19 : i32
      %dma_start3A_21 = tpu.memref_slice %arg11[%mul3A_20] : memref<512xi32, #tpu.memory_space<vmem>> -> memref<128xi32, #tpu.memory_space<vmem>>
      %dma_start3A_22 = arith.constant 0 : i32
      %dma_start3A_23 = arith.constant 0 : i32
      %dma_start3A_24 = tpu.memref_slice %arg5[%dma_start3A_22, %dma_start3A_23] : memref<102400x128xf32, #tpu.memory_space<hbm>> -> memref<102400x128xf32, #tpu.memory_space<hbm>>
      tpu.enqueue_indirect_dma source(%dma_start3A_24 : memref<102400x128xf32, #tpu.memory_space<hbm>>) target(%arg14 : memref<128x128xf32, #tpu.memory_space<vmem>>) offsets(%dma_start3A_21 : memref<128xi32, #tpu.memory_space<vmem>>) semaphore(%arg17 : memref<!tpu.dma_semaphore, #tpu.memory_space<semaphore_mem>>)
      %dma_start3A_25 = tpu.memref_slice %arg12[%mul3A_20] : memref<512xi32, #tpu.memory_space<vmem>> -> memref<128xi32, #tpu.memory_space<vmem>>
      %dma_start3A_26 = arith.constant 0 : i32
      %dma_start3A_27 = arith.constant 0 : i32
      %dma_start3A_28 = tpu.memref_slice %arg6[%dma_start3A_26, %dma_start3A_27] : memref<102400x128xf32, #tpu.memory_space<hbm>> -> memref<102400x128xf32, #tpu.memory_space<hbm>>
      tpu.enqueue_indirect_dma source(%dma_start3A_28 : memref<102400x128xf32, #tpu.memory_space<hbm>>) target(%arg15 : memref<128x128xf32, #tpu.memory_space<vmem>>) offsets(%dma_start3A_25 : memref<128xi32, #tpu.memory_space<vmem>>) semaphore(%arg17 : memref<!tpu.dma_semaphore, #tpu.memory_space<semaphore_mem>>)
      %dma_start3A_29 = tpu.memref_slice %arg13[%mul3A_20] : memref<512xi32, #tpu.memory_space<vmem>> -> memref<128xi32, #tpu.memory_space<vmem>>
      %dma_start3A_30 = arith.constant 0 : i32
      %dma_start3A_31 = arith.constant 0 : i32
      %dma_start3A_32 = tpu.memref_slice %arg6[%dma_start3A_30, %dma_start3A_31] : memref<102400x128xf32, #tpu.memory_space<hbm>> -> memref<102400x128xf32, #tpu.memory_space<hbm>>
      tpu.enqueue_indirect_dma source(%dma_start3A_32 : memref<102400x128xf32, #tpu.memory_space<hbm>>) target(%arg16 : memref<128x128xf32, #tpu.memory_space<vmem>>) offsets(%dma_start3A_29 : memref<128xi32, #tpu.memory_space<vmem>>) semaphore(%arg17 : memref<!tpu.dma_semaphore, #tpu.memory_space<semaphore_mem>>)
      %dma_wait3A_33 = tpu.memref_slice %arg11[%mul3A_20] : memref<512xi32, #tpu.memory_space<vmem>> -> memref<128xi32, #tpu.memory_space<vmem>>
      %dma_wait3A_34 = arith.constant 0 : i32
      %dma_wait3A_35 = arith.constant 0 : i32
      %dma_wait3A_36 = tpu.memref_slice %arg5[%dma_wait3A_34, %dma_wait3A_35] : memref<102400x128xf32, #tpu.memory_space<hbm>> -> memref<102400x128xf32, #tpu.memory_space<hbm>>
      tpu.wait_indirect_dma semaphore(%arg17 : memref<!tpu.dma_semaphore, #tpu.memory_space<semaphore_mem>>) src(%dma_wait3A_36 : memref<102400x128xf32, #tpu.memory_space<hbm>>) dst(%arg14 : memref<128x128xf32, #tpu.memory_space<vmem>>)
      %dma_wait3A_37 = tpu.memref_slice %arg12[%mul3A_20] : memref<512xi32, #tpu.memory_space<vmem>> -> memref<128xi32, #tpu.memory_space<vmem>>
      %dma_wait3A_38 = arith.constant 0 : i32
      %dma_wait3A_39 = arith.constant 0 : i32
      %dma_wait3A_40 = tpu.memref_slice %arg6[%dma_wait3A_38, %dma_wait3A_39] : memref<102400x128xf32, #tpu.memory_space<hbm>> -> memref<102400x128xf32, #tpu.memory_space<hbm>>
      tpu.wait_indirect_dma semaphore(%arg17 : memref<!tpu.dma_semaphore, #tpu.memory_space<semaphore_mem>>) src(%dma_wait3A_40 : memref<102400x128xf32, #tpu.memory_space<hbm>>) dst(%arg15 : memref<128x128xf32, #tpu.memory_space<vmem>>)
      %dma_wait3A_41 = tpu.memref_slice %arg13[%mul3A_20] : memref<512xi32, #tpu.memory_space<vmem>> -> memref<128xi32, #tpu.memory_space<vmem>>
      %dma_wait3A_42 = arith.constant 0 : i32
      %dma_wait3A_43 = arith.constant 0 : i32
      %dma_wait3A_44 = tpu.memref_slice %arg6[%dma_wait3A_42, %dma_wait3A_43] : memref<102400x128xf32, #tpu.memory_space<hbm>> -> memref<102400x128xf32, #tpu.memory_space<hbm>>
      tpu.wait_indirect_dma semaphore(%arg17 : memref<!tpu.dma_semaphore, #tpu.memory_space<semaphore_mem>>) src(%dma_wait3A_44 : memref<102400x128xf32, #tpu.memory_space<hbm>>) dst(%arg16 : memref<128x128xf32, #tpu.memory_space<vmem>>)
      %add3A_45 = arith.addi %mul3A_2, %mul3A_20 : i32
      %dma_start3A_46 = arith.constant 0 : i32
      %dma_start3A_47 = tpu.memref_slice %arg8[%add3A_45, %dma_start3A_46] : memref<16384x128xf32, #tpu.memory_space<hbm>> -> memref<128x128xf32, #tpu.memory_space<hbm>>
      %dma_start3A_48 = arith.constant 0 : i32
      %dma_start3A_49 = tpu.memref_slice %arg8[%add3A_45, %dma_start3A_48] : memref<16384x128xf32, #tpu.memory_space<hbm>> -> memref<128x128xf32, #tpu.memory_space<hbm>>
      tpu.enqueue_dma source(%arg14 : memref<128x128xf32, #tpu.memory_space<vmem>>) target(%dma_start3A_49 : memref<128x128xf32, #tpu.memory_space<hbm>>) target_semaphore(%arg17 : memref<!tpu.dma_semaphore, #tpu.memory_space<semaphore_mem>>)
      %dma_start3A_50 = arith.constant 0 : i32
      %dma_start3A_51 = tpu.memref_slice %arg9[%add3A_45, %dma_start3A_50] : memref<16384x128xf32, #tpu.memory_space<hbm>> -> memref<128x128xf32, #tpu.memory_space<hbm>>
      %dma_start3A_52 = arith.constant 0 : i32
      %dma_start3A_53 = tpu.memref_slice %arg9[%add3A_45, %dma_start3A_52] : memref<16384x128xf32, #tpu.memory_space<hbm>> -> memref<128x128xf32, #tpu.memory_space<hbm>>
      tpu.enqueue_dma source(%arg15 : memref<128x128xf32, #tpu.memory_space<vmem>>) target(%dma_start3A_53 : memref<128x128xf32, #tpu.memory_space<hbm>>) target_semaphore(%arg17 : memref<!tpu.dma_semaphore, #tpu.memory_space<semaphore_mem>>)
      %dma_start3A_54 = arith.constant 0 : i32
      %dma_start3A_55 = tpu.memref_slice %arg10[%add3A_45, %dma_start3A_54] : memref<16384x128xf32, #tpu.memory_space<hbm>> -> memref<128x128xf32, #tpu.memory_space<hbm>>
      %dma_start3A_56 = arith.constant 0 : i32
      %dma_start3A_57 = tpu.memref_slice %arg10[%add3A_45, %dma_start3A_56] : memref<16384x128xf32, #tpu.memory_space<hbm>> -> memref<128x128xf32, #tpu.memory_space<hbm>>
      tpu.enqueue_dma source(%arg16 : memref<128x128xf32, #tpu.memory_space<vmem>>) target(%dma_start3A_57 : memref<128x128xf32, #tpu.memory_space<hbm>>) target_semaphore(%arg17 : memref<!tpu.dma_semaphore, #tpu.memory_space<semaphore_mem>>)
      %dma_wait3A_58 = arith.constant 0 : i32
      %dma_wait3A_59 = tpu.memref_slice %arg8[%add3A_45, %dma_wait3A_58] : memref<16384x128xf32, #tpu.memory_space<hbm>> -> memref<128x128xf32, #tpu.memory_space<hbm>>
      %dma_wait3A_60 = arith.constant 0 : i32
      %dma_wait3A_61 = tpu.memref_slice %arg8[%add3A_45, %dma_wait3A_60] : memref<16384x128xf32, #tpu.memory_space<hbm>> -> memref<128x128xf32, #tpu.memory_space<hbm>>
      tpu.wait_dma2 semaphore(%arg17 : memref<!tpu.dma_semaphore, #tpu.memory_space<semaphore_mem>>) src(%arg14 : memref<128x128xf32, #tpu.memory_space<vmem>>) dst(%dma_wait3A_61 : memref<128x128xf32, #tpu.memory_space<hbm>>)
      %dma_wait3A_62 = arith.constant 0 : i32
      %dma_wait3A_63 = tpu.memref_slice %arg9[%add3A_45, %dma_wait3A_62] : memref<16384x128xf32, #tpu.memory_space<hbm>> -> memref<128x128xf32, #tpu.memory_space<hbm>>
      %dma_wait3A_64 = arith.constant 0 : i32
      %dma_wait3A_65 = tpu.memref_slice %arg9[%add3A_45, %dma_wait3A_64] : memref<16384x128xf32, #tpu.memory_space<hbm>> -> memref<128x128xf32, #tpu.memory_space<hbm>>
      tpu.wait_dma2 semaphore(%arg17 : memref<!tpu.dma_semaphore, #tpu.memory_space<semaphore_mem>>) src(%arg15 : memref<128x128xf32, #tpu.memory_space<vmem>>) dst(%dma_wait3A_65 : memref<128x128xf32, #tpu.memory_space<hbm>>)
      %dma_wait3A_66 = arith.constant 0 : i32
      %dma_wait3A_67 = tpu.memref_slice %arg10[%add3A_45, %dma_wait3A_66] : memref<16384x128xf32, #tpu.memory_space<hbm>> -> memref<128x128xf32, #tpu.memory_space<hbm>>
      %dma_wait3A_68 = arith.constant 0 : i32
      %dma_wait3A_69 = tpu.memref_slice %arg10[%add3A_45, %dma_wait3A_68] : memref<16384x128xf32, #tpu.memory_space<hbm>> -> memref<128x128xf32, #tpu.memory_space<hbm>>
      tpu.wait_dma2 semaphore(%arg17 : memref<!tpu.dma_semaphore, #tpu.memory_space<semaphore_mem>>) src(%arg16 : memref<128x128xf32, #tpu.memory_space<vmem>>) dst(%dma_wait3A_69 : memref<128x128xf32, #tpu.memory_space<hbm>>)
    }
    %scan3A_17 = arith.constant 4 : i32
    return
  }
}

module attributes {stable_mosaic.version = 14 : i64} {
  func.func @_pack_body(%arg0: i32, %arg1: memref<64x4096xf32, #tpu.memory_space<vmem>>, %arg2: memref<32x4096xf32, #tpu.memory_space<vmem>>, %arg3: memref<64x4096xf32, #tpu.memory_space<vmem>>, %arg4: memref<4096xf32, #tpu.memory_space<vmem>>, %arg5: memref<4096x128xf32, #tpu.memory_space<vmem>>, %arg6: memref<4096x128xf32, #tpu.memory_space<vmem>>) attributes {dimension_semantics = [#tpu.dimension_semantics<arbitrary>], iteration_bounds = array<i64: 25>, scalar_prefetch = 0 : i64, scratch_operands = 0 : i64, tpu.core_type = #tpu.core_type<tc>, window_params = [{transform_indices = @transform_0, window_bounds = array<i64: 64, 4096>}, {transform_indices = @transform_1, window_bounds = array<i64: 32, 4096>}, {transform_indices = @transform_2, window_bounds = array<i64: 64, 4096>}, {transform_indices = @transform_3, window_bounds = array<i64: 4096>}, {transform_indices = @transform_4, window_bounds = array<i64: 4096, 128>}, {transform_indices = @transform_5, window_bounds = array<i64: 4096, 128>}]} {
    %iota3A = tpu.iota {dimensions = array<i32: 0>} : vector<128x128xi32>
    %iota3A_0 = tpu.iota {dimensions = array<i32: 1>} : vector<128x128xi32>
    %add3A = arith.constant 0 : i32
    %add3A_1 = vector.broadcast %add3A : i32 to vector<128x128xi32>
    %add3A_2 = arith.addi %iota3A, %add3A_1 : vector<128x128xi32>
    %eq3A = arith.cmpi eq, %add3A_2, %iota3A_0 : vector<128x128xi32>
    %convert_element_type3A = arith.extui %eq3A : vector<128x128xi1> to vector<128x128xi32>
    %convert_element_type3A_3 = arith.sitofp %convert_element_type3A : vector<128x128xi32> to vector<128x128xf32>
    %broadcast_in_dim3A = arith.constant 0.000000e+00 : f32
    %broadcast_in_dim3A_4 = vector.broadcast %broadcast_in_dim3A : f32 to vector<32x4096xf32>
    %get3A = arith.constant 0 : index
    %get3A_5 = arith.constant 0 : index
    %get3A_6 = vector.load %arg1[%get3A, %get3A_5] : memref<64x4096xf32, #tpu.memory_space<vmem>>, vector<64x4096xf32>
    %get3A_7 = arith.constant 0 : index
    %get3A_8 = arith.constant 0 : index
    %get3A_9 = vector.load %arg2[%get3A_7, %get3A_8] : memref<32x4096xf32, #tpu.memory_space<vmem>>, vector<32x4096xf32>
    %concatenate3A = tpu.concatenate %get3A_6, %get3A_9, %broadcast_in_dim3A_4 in 0 : vector<64x4096xf32>, vector<32x4096xf32>, vector<32x4096xf32> -> vector<128x4096xf32>
    %dot_general3A = arith.constant dense<0.000000e+00> : vector<4096x128xf32>
    %dot_general3A_10 = tpu.matmul %concatenate3A, %convert_element_type3A_3, %dot_general3A {dimension_numbers = #tpu.dot_dimension_numbers<[0], [0], [1], [1], [0, 1, 1, 1], [], []>, transpose_lhs_hint = false} : vector<128x4096xf32>, vector<128x128xf32>, vector<4096x128xf32> -> vector<4096x128xf32>
    %swap3A = arith.constant 0 : index
    %swap3A_11 = arith.constant 0 : index
    %swap3A_12 = vector.load %arg5[%swap3A, %swap3A_11] : memref<4096x128xf32, #tpu.memory_space<vmem>>, vector<4096x128xf32>
    tpu.vector_store %arg5[%swap3A, %swap3A_11], %dot_general3A_10 {strides = array<i32>} : memref<4096x128xf32, #tpu.memory_space<vmem>>, vector<4096x128xf32>,
    %get3A_13 = arith.constant 0 : index
    %get3A_14 = vector.load %arg4[%get3A_13] : memref<4096xf32, #tpu.memory_space<vmem>>, vector<4096xf32>
    %broadcast_in_dim3A_15 = vector.shape_cast %get3A_14 : vector<4096xf32> to vector<1x4096xf32>
    %broadcast_in_dim3A_16 = arith.constant 0.000000e+00 : f32
    %broadcast_in_dim3A_17 = vector.broadcast %broadcast_in_dim3A_16 : f32 to vector<63x4096xf32>
    %get3A_18 = arith.constant 0 : index
    %get3A_19 = arith.constant 0 : index
    %get3A_20 = vector.load %arg3[%get3A_18, %get3A_19] : memref<64x4096xf32, #tpu.memory_space<vmem>>, vector<64x4096xf32>
    %concatenate3A_21 = tpu.concatenate %get3A_20, %broadcast_in_dim3A_15, %broadcast_in_dim3A_17 in 0 : vector<64x4096xf32>, vector<1x4096xf32>, vector<63x4096xf32> -> vector<128x4096xf32>
    %dot_general3A_22 = arith.constant dense<0.000000e+00> : vector<4096x128xf32>
    %dot_general3A_23 = tpu.matmul %concatenate3A_21, %convert_element_type3A_3, %dot_general3A_22 {dimension_numbers = #tpu.dot_dimension_numbers<[0], [0], [1], [1], [0, 1, 1, 1], [], []>, transpose_lhs_hint = false} : vector<128x4096xf32>, vector<128x128xf32>, vector<4096x128xf32> -> vector<4096x128xf32>
    %swap3A_24 = arith.constant 0 : index
    %swap3A_25 = arith.constant 0 : index
    %swap3A_26 = vector.load %arg6[%swap3A_24, %swap3A_25] : memref<4096x128xf32, #tpu.memory_space<vmem>>, vector<4096x128xf32>
    tpu.vector_store %arg6[%swap3A_24, %swap3A_25], %dot_general3A_23 {strides = array<i32>} : memref<4096x128xf32, #tpu.memory_space<vmem>>, vector<4096x128xf32>,
    return
  }
  func.func @transform_0(%arg0: i32) -> (i32, i32) {
    %c0_i32 = arith.constant 0 : i32
    %c0_i32_0 = arith.constant 0 : i32
    return %c0_i32, %arg0 : i32, i32
  }
  func.func @transform_1(%arg0: i32) -> (i32, i32) {
    %c0_i32 = arith.constant 0 : i32
    %c0_i32_0 = arith.constant 0 : i32
    return %c0_i32, %arg0 : i32, i32
  }
  func.func @transform_2(%arg0: i32) -> (i32, i32) {
    %c0_i32 = arith.constant 0 : i32
    %c0_i32_0 = arith.constant 0 : i32
    return %c0_i32, %arg0 : i32, i32
  }
  func.func @transform_3(%arg0: i32) -> i32 {
    %c0_i32 = arith.constant 0 : i32
    return %arg0 : i32
  }
  func.func @transform_4(%arg0: i32) -> (i32, i32) {
    %c0_i32 = arith.constant 0 : i32
    %c0_i32_0 = arith.constant 0 : i32
    return %arg0, %c0_i32 : i32, i32
  }
  func.func @transform_5(%arg0: i32) -> (i32, i32) {
    %c0_i32 = arith.constant 0 : i32
    %c0_i32_0 = arith.constant 0 : i32
    return %arg0, %c0_i32 : i32, i32
  }
}

module attributes {stable_mosaic.version = 14 : i64} {
  func.func @_cfd_body(%arg0: i32, %arg1: memref<2048xi32, #tpu.memory_space<vmem>>, %arg2: memref<2048xi32, #tpu.memory_space<vmem>>, %arg3: memref<1000x32xf32, #tpu.memory_space<vmem>>, %arg4: memref<2048x32xf32, #tpu.memory_space<vmem>>) attributes {dimension_semantics = [#tpu.dimension_semantics<arbitrary>], iteration_bounds = array<i64: 8>, scalar_prefetch = 0 : i64, scratch_operands = 0 : i64, tpu.core_type = #tpu.core_type<tc>, window_params = [{transform_indices = @transform_0, window_bounds = array<i64: 2048>}, {transform_indices = @transform_1, window_bounds = array<i64: 2048>}, {pipeline_mode = #tpu.pipeline_mode<synchronous>, transform_indices = @transform_2, window_bounds = array<i64: 1000, 32>}, {transform_indices = @transform_3, window_bounds = array<i64: 2048, 32>}]} {
    %get3A = arith.constant 0 : index
    %get3A_0 = vector.load %arg1[%get3A] : memref<2048xi32, #tpu.memory_space<vmem>>, vector<2048xi32>
    %broadcast_in_dim3A = vector.shape_cast %get3A_0 : vector<2048xi32> to vector<2048x1xi32>
    %get3A_1 = arith.constant 0 : index
    %get3A_2 = vector.load %arg2[%get3A_1] : memref<2048xi32, #tpu.memory_space<vmem>>, vector<2048xi32>
    %broadcast_in_dim3A_3 = vector.shape_cast %get3A_2 : vector<2048xi32> to vector<2048x1xi32>
    %iota3A = tpu.iota {dimensions = array<i32: 1>} : vector<2048x1000xi32>
    %eq3A = vector.broadcast %broadcast_in_dim3A : vector<2048x1xi32> to vector<2048x1000xi32>
    %eq3A_4 = arith.cmpi eq, %iota3A, %eq3A : vector<2048x1000xi32>
    %convert_element_type3A = arith.extui %eq3A_4 : vector<2048x1000xi1> to vector<2048x1000xi32>
    %convert_element_type3A_5 = arith.sitofp %convert_element_type3A : vector<2048x1000xi32> to vector<2048x1000xf32>
    %eq3A_6 = vector.broadcast %broadcast_in_dim3A_3 : vector<2048x1xi32> to vector<2048x1000xi32>
    %eq3A_7 = arith.cmpi eq, %iota3A, %eq3A_6 : vector<2048x1000xi32>
    %convert_element_type3A_8 = arith.extui %eq3A_7 : vector<2048x1000xi1> to vector<2048x1000xi32>
    %convert_element_type3A_9 = arith.sitofp %convert_element_type3A_8 : vector<2048x1000xi32> to vector<2048x1000xf32>
    %sub3A = arith.subf %convert_element_type3A_5, %convert_element_type3A_9 : vector<2048x1000xf32>
    %get3A_10 = arith.constant 0 : index
    %get3A_11 = arith.constant 0 : index
    %get3A_12 = vector.load %arg3[%get3A_10, %get3A_11] : memref<1000x32xf32, #tpu.memory_space<vmem>>, vector<1000x32xf32>
    %dot_general3A = arith.constant dense<0.000000e+00> : vector<2048x32xf32>
    %dot_general3A_13 = tpu.matmul %sub3A, %get3A_12, %dot_general3A {dimension_numbers = #tpu.dot_dimension_numbers<[1], [0], [0], [1], [0, 0, 1, 1], [], []>, transpose_lhs_hint = false} : vector<2048x1000xf32>, vector<1000x32xf32>, vector<2048x32xf32> -> vector<2048x32xf32>
    %swap3A = arith.constant 0 : index
    %swap3A_14 = arith.constant 0 : index
    %swap3A_15 = vector.load %arg4[%swap3A, %swap3A_14] : memref<2048x32xf32, #tpu.memory_space<vmem>>, vector<2048x32xf32>
    tpu.vector_store %arg4[%swap3A, %swap3A_14], %dot_general3A_13 {strides = array<i32>} : memref<2048x32xf32, #tpu.memory_space<vmem>>, vector<2048x32xf32>,
    return
  }
  func.func @transform_0(%arg0: i32) -> i32 {
    %c0_i32 = arith.constant 0 : i32
    return %arg0 : i32
  }
  func.func @transform_1(%arg0: i32) -> i32 {
    %c0_i32 = arith.constant 0 : i32
    return %arg0 : i32
  }
  func.func @transform_2(%arg0: i32) -> (i32, i32) {
    %c0_i32 = arith.constant 0 : i32
    %c0_i32_0 = arith.constant 0 : i32
    %c0_i32_1 = arith.constant 0 : i32
    return %c0_i32, %c0_i32_0 : i32, i32
  }
  func.func @transform_3(%arg0: i32) -> (i32, i32) {
    %c0_i32 = arith.constant 0 : i32
    %c0_i32_0 = arith.constant 0 : i32
    return %arg0, %c0_i32 : i32, i32
  }
}

module attributes {stable_mosaic.version = 14 : i64} {
  func.func @_tc_body(%arg0: i32, %arg1: memref<2048x128xf32, #tpu.memory_space<vmem>>, %arg2: memref<2048x128xf32, #tpu.memory_space<vmem>>, %arg3: memref<2048x128xf32, #tpu.memory_space<vmem>>, %arg4: memref<2048x512xf32, #tpu.memory_space<vmem>>, %arg5: memref<2048x32xf32, #tpu.memory_space<vmem>>, %arg6: memref<512x32xf32, #tpu.memory_space<vmem>>, %arg7: memref<512x1xf32, #tpu.memory_space<vmem>>, %arg8: memref<1x1xf32, #tpu.memory_space<smem>>, %arg9: memref<1x1xf32, #tpu.memory_space<smem>>) attributes {dimension_semantics = [#tpu.dimension_semantics<arbitrary>], iteration_bounds = array<i64: 8>, scalar_prefetch = 0 : i64, scratch_operands = 0 : i64, tpu.core_type = #tpu.core_type<tc>, window_params = [{transform_indices = @transform_0, window_bounds = array<i64: 2048, 128>}, {transform_indices = @transform_1, window_bounds = array<i64: 2048, 128>}, {transform_indices = @transform_2, window_bounds = array<i64: 2048, 128>}, {transform_indices = @transform_3, window_bounds = array<i64: 2048, 512>}, {transform_indices = @transform_4, window_bounds = array<i64: 2048, 32>}, {pipeline_mode = #tpu.pipeline_mode<synchronous>, transform_indices = @transform_5, window_bounds = array<i64: 512, 32>}, {pipeline_mode = #tpu.pipeline_mode<synchronous>, transform_indices = @transform_6, window_bounds = array<i64: 512, 1>}, {transform_indices = @transform_7, window_bounds = array<i64: 1, 1>}, {transform_indices = @transform_8, window_bounds = array<i64: 1, 1>}]} {
    %get3A = arith.constant 0 : index
    %get3A_0 = arith.constant 0 : index
    %get3A_1 = vector.load %arg1[%get3A, %get3A_0] : memref<2048x128xf32, #tpu.memory_space<vmem>>, vector<2048x128xf32>
    %get3A_2 = arith.constant 0 : index
    %get3A_3 = arith.constant 0 : index
    %get3A_4 = vector.load %arg2[%get3A_2, %get3A_3] : memref<2048x128xf32, #tpu.memory_space<vmem>>, vector<2048x128xf32>
    %get3A_5 = arith.constant 0 : index
    %get3A_6 = arith.constant 0 : index
    %get3A_7 = vector.load %arg3[%get3A_5, %get3A_6] : memref<2048x128xf32, #tpu.memory_space<vmem>>, vector<2048x128xf32>
    %slice3A = vector.extract_strided_slice %get3A_1 {offsets = [0, 0], sizes = [2048, 64], strides = [1, 1]} : vector<2048x128xf32> to vector<2048x64xf32>
    %slice3A_8 = vector.extract_strided_slice %get3A_1 {offsets = [0, 64], sizes = [2048, 32], strides = [1, 1]} : vector<2048x128xf32> to vector<2048x32xf32>
    %slice3A_9 = vector.extract_strided_slice %get3A_4 {offsets = [0, 0], sizes = [2048, 64], strides = [1, 1]} : vector<2048x128xf32> to vector<2048x64xf32>
    %slice3A_10 = vector.extract_strided_slice %get3A_7 {offsets = [0, 0], sizes = [2048, 64], strides = [1, 1]} : vector<2048x128xf32> to vector<2048x64xf32>
    %slice3A_11 = vector.extract_strided_slice %get3A_4 {offsets = [0, 64], sizes = [2048, 1], strides = [1, 1]} : vector<2048x128xf32> to vector<2048x1xf32>
    %slice3A_12 = vector.extract_strided_slice %get3A_7 {offsets = [0, 64], sizes = [2048, 1], strides = [1, 1]} : vector<2048x128xf32> to vector<2048x1xf32>
    %get3A_13 = arith.constant 0 : index
    %get3A_14 = arith.constant 0 : index
    %get3A_15 = vector.load %arg5[%get3A_13, %get3A_14] : memref<2048x32xf32, #tpu.memory_space<vmem>>, vector<2048x32xf32>
    %get3A_16 = arith.constant 0 : index
    %get3A_17 = arith.constant 0 : index
    %get3A_18 = vector.load %arg4[%get3A_16, %get3A_17] : memref<2048x512xf32, #tpu.memory_space<vmem>>, vector<2048x512xf32>
    %get3A_19 = arith.constant 0 : index
    %get3A_20 = arith.constant 0 : index
    %get3A_21 = vector.load %arg6[%get3A_19, %get3A_20] : memref<512x32xf32, #tpu.memory_space<vmem>>, vector<512x32xf32>
    %dot_general3A = arith.constant dense<0.000000e+00> : vector<2048x32xf32>
    %dot_general3A_22 = tpu.matmul %get3A_18, %get3A_21, %dot_general3A {dimension_numbers = #tpu.dot_dimension_numbers<[1], [0], [0], [1], [0, 0, 1, 1], [], []>, transpose_lhs_hint = false} : vector<2048x512xf32>, vector<512x32xf32>, vector<2048x32xf32> -> vector<2048x32xf32>
    %get3A_23 = arith.constant 0 : index
    %get3A_24 = arith.constant 0 : index
    %get3A_25 = vector.load %arg7[%get3A_23, %get3A_24] : memref<512x1xf32, #tpu.memory_space<vmem>>, vector<512x1xf32>
    %dot_general3A_26 = arith.constant dense<0.000000e+00> : vector<2048x1xf32>
    %dot_general3A_27 = tpu.matmul %get3A_18, %get3A_25, %dot_general3A_26 {dimension_numbers = #tpu.dot_dimension_numbers<[1], [0], [0], [1], [0, 0, 1, 1], [], []>, transpose_lhs_hint = false} : vector<2048x512xf32>, vector<512x1xf32>, vector<2048x1xf32> -> vector<2048x1xf32>
    %broadcast_in_dim3A = arith.constant 1.000000e+00 : f32
    %broadcast_in_dim3A_28 = vector.broadcast %broadcast_in_dim3A : f32 to vector<64x1xf32>
    %broadcast_in_dim3A_29 = arith.constant 1.000000e+00 : f32
    %broadcast_in_dim3A_30 = vector.broadcast %broadcast_in_dim3A_29 : f32 to vector<32x1xf32>
    %sub3A = arith.subf %slice3A_11, %slice3A_12 : vector<2048x1xf32>
    %sub3A_31 = arith.subf %slice3A_9, %slice3A_10 : vector<2048x64xf32>
    %mul3A = arith.mulf %slice3A, %sub3A_31 : vector<2048x64xf32>
    %dot_general3A_32 = arith.constant dense<0.000000e+00> : vector<2048x1xf32>
    %dot_general3A_33 = tpu.matmul %mul3A, %broadcast_in_dim3A_28, %dot_general3A_32 {dimension_numbers = #tpu.dot_dimension_numbers<[1], [0], [0], [1], [0, 0, 1, 1], [], []>, transpose_lhs_hint = false} : vector<2048x64xf32>, vector<64x1xf32>, vector<2048x1xf32> -> vector<2048x1xf32>
    %add3A = arith.addf %sub3A, %dot_general3A_33 : vector<2048x1xf32>
    %sub3A_34 = arith.subf %dot_general3A_22, %get3A_15 : vector<2048x32xf32>
    %mul3A_35 = arith.mulf %slice3A_8, %sub3A_34 : vector<2048x32xf32>
    %dot_general3A_36 = arith.constant dense<0.000000e+00> : vector<2048x1xf32>
    %dot_general3A_37 = tpu.matmul %mul3A_35, %broadcast_in_dim3A_30, %dot_general3A_36 {dimension_numbers = #tpu.dot_dimension_numbers<[1], [0], [0], [1], [0, 0, 1, 1], [], []>, transpose_lhs_hint = false} : vector<2048x32xf32>, vector<32x1xf32>, vector<2048x1xf32> -> vector<2048x1xf32>
    %add3A_38 = arith.addf %add3A, %dot_general3A_37 : vector<2048x1xf32>
    %add3A_39 = arith.addf %add3A_38, %dot_general3A_27 : vector<2048x1xf32>
    %min3A = arith.constant 0.000000e+00 : f32
    %min3A_40 = vector.broadcast %min3A : f32 to vector<2048x1xf32>
    %min3A_41 = arith.minimumf %add3A_39, %min3A_40 : vector<2048x1xf32>
    %abs3A = math.absf %add3A_39 : vector<2048x1xf32>
    %neg3A = arith.constant 0.000000e+00 : f32
    %neg3A_42 = vector.broadcast %neg3A : f32 to vector<2048x1xf32>
    %neg3A_43 = arith.subf %neg3A_42, %abs3A : vector<2048x1xf32>
    %exp3A = math.exp %neg3A_43 : vector<2048x1xf32>
    %log1p3A = math.log1p %exp3A : vector<2048x1xf32>
    %sub3A_44 = arith.subf %min3A_41, %log1p3A : vector<2048x1xf32>
    %gt3A = arith.constant 0.000000e+00 : f32
    %gt3A_45 = vector.broadcast %gt3A : f32 to vector<2048x1xf32>
    %gt3A_46 = arith.cmpf ogt, %add3A_39, %gt3A_45 : vector<2048x1xf32>
    %convert_element_type3A = arith.extui %gt3A_46 : vector<2048x1xi1> to vector<2048x1xi32>
    %convert_element_type3A_47 = arith.sitofp %convert_element_type3A : vector<2048x1xi32> to vector<2048x1xf32>
    %mul3A_48 = arith.mulf %slice3A, %slice3A : vector<2048x64xf32>
    %mul3A_49 = arith.mulf %slice3A_9, %slice3A_9 : vector<2048x64xf32>
    %add3A_50 = arith.addf %mul3A_48, %mul3A_49 : vector<2048x64xf32>
    %mul3A_51 = arith.mulf %slice3A_10, %slice3A_10 : vector<2048x64xf32>
    %add3A_52 = arith.addf %add3A_50, %mul3A_51 : vector<2048x64xf32>
    %dot_general3A_53 = arith.constant dense<0.000000e+00> : vector<2048x1xf32>
    %dot_general3A_54 = tpu.matmul %add3A_52, %broadcast_in_dim3A_28, %dot_general3A_53 {dimension_numbers = #tpu.dot_dimension_numbers<[1], [0], [0], [1], [0, 0, 1, 1], [], []>, transpose_lhs_hint = false} : vector<2048x64xf32>, vector<64x1xf32>, vector<2048x1xf32> -> vector<2048x1xf32>
    %mul3A_55 = arith.mulf %slice3A_8, %slice3A_8 : vector<2048x32xf32>
    %dot_general3A_56 = arith.constant dense<0.000000e+00> : vector<2048x1xf32>
    %dot_general3A_57 = tpu.matmul %mul3A_55, %broadcast_in_dim3A_30, %dot_general3A_56 {dimension_numbers = #tpu.dot_dimension_numbers<[1], [0], [0], [1], [0, 0, 1, 1], [], []>, transpose_lhs_hint = false} : vector<2048x32xf32>, vector<32x1xf32>, vector<2048x1xf32> -> vector<2048x1xf32>
    %add3A_58 = arith.addf %dot_general3A_54, %dot_general3A_57 : vector<2048x1xf32>
    %mul3A_59 = arith.constant 5.000000e-03 : f32
    %mul3A_60 = vector.broadcast %mul3A_59 : f32 to vector<2048x1xf32>
    %mul3A_61 = arith.mulf %mul3A_60, %add3A_58 : vector<2048x1xf32>
    %mul3A_62 = arith.mulf %slice3A_11, %slice3A_11 : vector<2048x1xf32>
    %mul3A_63 = arith.mulf %slice3A_12, %slice3A_12 : vector<2048x1xf32>
    %add3A_64 = arith.addf %mul3A_62, %mul3A_63 : vector<2048x1xf32>
    %mul3A_65 = arith.constant 5.000000e-03 : f32
    %mul3A_66 = vector.broadcast %mul3A_65 : f32 to vector<2048x1xf32>
    %mul3A_67 = arith.mulf %mul3A_66, %add3A_64 : vector<2048x1xf32>
    %add3A_68 = arith.addf %mul3A_61, %mul3A_67 : vector<2048x1xf32>
    %eq3A = arith.constant 0 : i32
    %eq3A_69 = arith.cmpi eq, %arg0, %eq3A : i32
    %convert_element_type3A_70 = arith.extui %eq3A_69 : i1 to i32
    %cond3A = arith.constant 0 : i32
    %cond3A_71 = arith.cmpi ne, %convert_element_type3A_70, %cond3A : i32
    scf.if %cond3A_71 {
      %swap3A_95 = arith.constant 0.000000e+00 : f32
      %swap3A_96 = arith.constant 0 : index
      %swap3A_97 = arith.constant 0 : index
      %swap3A_98 = memref.load %arg8[%swap3A_96, %swap3A_97] : memref<1x1xf32, #tpu.memory_space<smem>>
      memref.store %swap3A_95, %arg8[%swap3A_96, %swap3A_97] : memref<1x1xf32, #tpu.memory_space<smem>>
      %swap3A_99 = arith.constant 0.000000e+00 : f32
      %swap3A_100 = arith.constant 0 : index
      %swap3A_101 = arith.constant 0 : index
      %swap3A_102 = memref.load %arg9[%swap3A_100, %swap3A_101] : memref<1x1xf32, #tpu.memory_space<smem>>
      memref.store %swap3A_99, %arg9[%swap3A_100, %swap3A_101] : memref<1x1xf32, #tpu.memory_space<smem>>
    } else {
    }
    %get3A_72 = arith.constant 0 : index
    %get3A_73 = arith.constant 0 : index
    %get3A_74 = memref.load %arg8[%get3A_72, %get3A_73] : memref<1x1xf32, #tpu.memory_space<smem>>
    %sub3A_75 = arith.subf %add3A_68, %sub3A_44 : vector<2048x1xf32>
    %reduce_sum3A = vector.shape_cast %sub3A_75 : vector<2048x1xf32> to vector<1x2048x1xf32>
    %reduce_sum3A_76 = arith.constant dense<0.000000e+00> : vector<1xf32>
    %reduce_sum3A_77 = vector.multi_reduction <add>, %reduce_sum3A, %reduce_sum3A_76 [1, 2] : vector<1x2048x1xf32> to vector<1xf32>
    %reduce_sum3A_78 = vector.shape_cast %reduce_sum3A_77 : vector<1xf32> to vector<1x1x1xf32>
    %reduce_sum3A_79 = vector.extract %reduce_sum3A_78[0, 0, 0] : f32 from vector<1x1x1xf32>
    %add3A_80 = arith.addf %get3A_74, %reduce_sum3A_79 : f32
    %swap3A = arith.constant 0 : index
    %swap3A_81 = arith.constant 0 : index
    %swap3A_82 = memref.load %arg8[%swap3A, %swap3A_81] : memref<1x1xf32, #tpu.memory_space<smem>>
    memref.store %add3A_80, %arg8[%swap3A, %swap3A_81] : memref<1x1xf32, #tpu.memory_space<smem>>
    %get3A_83 = arith.constant 0 : index
    %get3A_84 = arith.constant 0 : index
    %get3A_85 = memref.load %arg9[%get3A_83, %get3A_84] : memref<1x1xf32, #tpu.memory_space<smem>>
    %reduce_sum3A_86 = vector.shape_cast %convert_element_type3A_47 : vector<2048x1xf32> to vector<1x2048x1xf32>
    %reduce_sum3A_87 = arith.constant dense<0.000000e+00> : vector<1xf32>
    %reduce_sum3A_88 = vector.multi_reduction <add>, %reduce_sum3A_86, %reduce_sum3A_87 [1, 2] : vector<1x2048x1xf32> to vector<1xf32>
    %reduce_sum3A_89 = vector.shape_cast %reduce_sum3A_88 : vector<1xf32> to vector<1x1x1xf32>
    %reduce_sum3A_90 = vector.extract %reduce_sum3A_89[0, 0, 0] : f32 from vector<1x1x1xf32>
    %add3A_91 = arith.addf %get3A_85, %reduce_sum3A_90 : f32
    %swap3A_92 = arith.constant 0 : index
    %swap3A_93 = arith.constant 0 : index
    %swap3A_94 = memref.load %arg9[%swap3A_92, %swap3A_93] : memref<1x1xf32, #tpu.memory_space<smem>>
    memref.store %add3A_91, %arg9[%swap3A_92, %swap3A_93] : memref<1x1xf32, #tpu.memory_space<smem>>
    return
  }
  func.func @transform_0(%arg0: i32) -> (i32, i32) {
    %c0_i32 = arith.constant 0 : i32
    %c0_i32_0 = arith.constant 0 : i32
    return %arg0, %c0_i32 : i32, i32
  }
  func.func @transform_1(%arg0: i32) -> (i32, i32) {
    %c0_i32 = arith.constant 0 : i32
    %c0_i32_0 = arith.constant 0 : i32
    return %arg0, %c0_i32 : i32, i32
  }
  func.func @transform_2(%arg0: i32) -> (i32, i32) {
    %c0_i32 = arith.constant 0 : i32
    %c0_i32_0 = arith.constant 0 : i32
    return %arg0, %c0_i32 : i32, i32
  }
  func.func @transform_3(%arg0: i32) -> (i32, i32) {
    %c0_i32 = arith.constant 0 : i32
    %c0_i32_0 = arith.constant 0 : i32
    return %arg0, %c0_i32 : i32, i32
  }
  func.func @transform_4(%arg0: i32) -> (i32, i32) {
    %c0_i32 = arith.constant 0 : i32
    %c0_i32_0 = arith.constant 0 : i32
    return %arg0, %c0_i32 : i32, i32
  }
  func.func @transform_5(%arg0: i32) -> (i32, i32) {
    %c0_i32 = arith.constant 0 : i32
    %c0_i32_0 = arith.constant 0 : i32
    %c0_i32_1 = arith.constant 0 : i32
    return %c0_i32, %c0_i32_0 : i32, i32
  }
  func.func @transform_6(%arg0: i32) -> (i32, i32) {
    %c0_i32 = arith.constant 0 : i32
    %c0_i32_0 = arith.constant 0 : i32
    %c0_i32_1 = arith.constant 0 : i32
    return %c0_i32, %c0_i32_0 : i32, i32
  }
  func.func @transform_7(%arg0: i32) -> (i32, i32) {
    %c0_i32 = arith.constant 0 : i32
    %c0_i32_0 = arith.constant 0 : i32
    %c0_i32_1 = arith.constant 0 : i32
    return %c0_i32, %c0_i32_0 : i32, i32
  }
  func.func @transform_8(%arg0: i32) -> (i32, i32) {
    %c0_i32 = arith.constant 0 : i32
    %c0_i32_0 = arith.constant 0 : i32
    %c0_i32_1 = arith.constant 0 : i32
    return %c0_i32, %c0_i32_0 : i32, i32
  }
}

</mosaic_0001>

<sc_bundles>
// kernel: kernel.10.cloned.1.call-start
scs
__scs_entry_jumppad:
0x0: {  	(pc) =	sbr.rel $0x88, $3  }
0x1: {  	(tag) =	ssettag $0x0;
	lr =	simm.s32 $0x1  }
0x2: {  	[smem:$0x3F95] =	sst lr;
	_ =	strace $0xD0000000  }
0x3: {  	_ = 	snop  }
0x4: {  	_ = 	snop  }
0x5: {  	_ = 	snop  }
0x6: {  	_ = 	snop  }
0x7: {  	_ = 	snop  }
__scs_overlays_trampoline_lowered:
0x8: {  	[smem:$0x3FA4] =	sst s0  }
0x9: {  	[smem:$0x3FA5] =	sst s1  }
0xa: {  	[smem:$0x3FA6] =	sst s2  }
0xb: {  	[smem:$0x3FA7] =	sst s3  }
0xc: {  	[smem:$0x3FA8] =	sst s4  }
0xd: {  	[smem:$0x3FA9] =	sst s5  }
0xe: {  	[smem:$0x3FAA] =	sst s6  }
0xf: {  	[smem:$0x3FAB] =	sst s7  }
0x10: {  	[smem:$0x3FAC] =	sst s8  }
0x11: {  	[smem:$0x3FAD] =	sst s9;
	s0 =	simm.s32 @!p0 $0x0  }
0x12: {  	s1 =	sld [smem:$0x3F93];
	s0 =	simm.s32 @p0 $0x1  }
0x13: {  	[smem:$0x3FAE] =	sst s0;
	s0 =	simm.s32 @!p1 $0x0  }
0x14: {  	s2 =	sld [smem:$0x3F92];
	s0 =	simm.s32 @p1 $0x1  }
0x15: {  	[smem:$0x3FAF] =	sst s0;
	s0 =	simm.s32 @!p2 $0x0  }
0x16: {  	s3 =	sld [smem:$0x3FDB];
	s0 =	simm.s32 @p2 $0x1  }
0x17: {  	s4 =	simm.s32 $0x1BF5;
	[smem:$0x3FB1] =	sst s0  }
0x18: {  	s0 =	sld [smem:$0x3F94];
	_ =	swait.ge [sflag:s4], $0x0  }
0x19: {  	s7 =	sld [smem:$0x3F95]  }
0x1a: {  	s8 =	sadd.s32 $0xFFFFE003, lr  }
0x1b: {  	s9 =	sadd.s32 $0xFFFFFEF7, lr;
	s5 =	simm.s32 $0xFFFFFFFF;
	p2 =	slt.u32 s8, $0xFFFFF086  }
0x1c: {  	p1 =	slt.u32 s9, $0xF7A;
	s5 =	simm.s32 @!p2 $0x0  }
0x1d: {  	s5 =	simm.s32 @p1 $0x1;
	p0 =	seq.s32 s7, s2  }
0x1e: {  	s7 =	smul.u32 @!p0 $0xF7A, s2;
	p2 =	seq.s32 @!p0 s5, $0x0  }
0x1f: {  	s9 =	smul.u32 $0xF7A, s1;
	s8 =	simm.s32 @!p0 $0x1BF5;
	p2 =	por !p2, p0  }
0x20: {  	[sflag:s8] =	ssyncset.s32 @!p0 $0xFFFFF086;
	s6 =	sadd.s32 @!p0 s3, s7;
	s7 =	simm.s32 @!p0 $0x108  }
0x21: {  	s3 =	sadd.s32 s3, s9;
	s6 =	sadd.s32 @!p0 $0x88, s6;
	s7 =	simm.s32 @p2 $0x1082  }
0x22: {  	[simem:s7], [sflag:s8] =	dma.local @!p0 [hbm:s6], $0xF7A  }
0x23: {  	s9 =	sor.u32 $0xD0000000, s2;
	s6 =	simm.s32 $0x108;
	_ =	swait.ge @!p0 [sflag:s8], $0x0  }
0x24: {  	s3 =	sadd.s32 $0x88, s3;
	s6 =	simm.s32 @!p1 $0x1082;
	[sflag:s4] =	ssyncset.s32 $0xFFFFF086  }
0x25: {  	[simem:s6], [sflag:s4] =	dma.local [hbm:s3], $0xF7A  }
0x26: {  	[smem:$0x3F95] =	sst s1;
	(tag) =	ssettag s2;
	_ =	strace s9  }
0x27: {  	s1 =	sld [smem:$0x3FA5]  }
0x28: {  	s2 =	sld [smem:$0x3FA6]  }
0x29: {  	s4 =	sld [smem:$0x3FA8]  }
0x2a: {  	p0 =	seq.s32 s5, $0x0;
	s5 =	sld [smem:$0x3FA9]  }
0x2b: {  	s6 =	sld [smem:$0x3FAA]  }
0x2c: {  	s7 =	sld [smem:$0x3FAB]  }
0x2d: {  	s3 =	simm.s32 $0x108;
	s8 =	sld [smem:$0x3FAC]  }
0x2e: {  	s3 =	simm.s32 @!p0 $0x1082;
	s9 =	sld [smem:$0x3FAD]  }
0x2f: {  	lr =	sadd.s32 s0, s3;
	s0 =	sld [smem:$0x3FA4]  }
0x30: {  	s3 =	sld [smem:$0x3FA7]  }
0x31: {  	[smem:$0x3FB0] =	sst s10  }
0x32: {  	s10 =	sld [smem:$0x3FAE];
	_ =	sdelay $0x3  }
0x33: {  	p0 =	seq.s32 s10, $0x1;
	s10 =	sld [smem:$0x3FB0];
	_ =	sdelay $0x3  }
0x34: {  	[smem:$0x3FB0] =	sst s10  }
0x35: {  	s10 =	sld [smem:$0x3FAF];
	_ =	sdelay $0x3  }
0x36: {  	p1 =	seq.s32 s10, $0x1;
	s10 =	sld [smem:$0x3FB0];
	_ =	sdelay $0x3  }
0x37: {  	[smem:$0x3FB0] =	sst s10  }
0x38: {  	s10 =	sld [smem:$0x3FB1]  }
0x39: {  	_ = 	snop;
	(pc) =	sbr.ind lr, $3  }
0x3a: {  	_ = 	snop  }
0x3b: {  	_ = 	snop  }
0x3c: {  	p2 =	seq.s32 s10, $0x1;
	s10 =	sld [smem:$0x3FB0]  }
0x3d: {  	_ =	shalt  }
0x3e: {  	_ =	shalt  }
0x3f: {  	_ =	shalt  }
0x40: {  	_ =	shalt  }
0x41: {  	_ =	shalt  }
0x42: {  	_ =	shalt  }
0x43: {  	_ =	shalt  }
0x44: {  	_ =	shalt  }
0x45: {  	_ =	shalt  }
0x46: {  	_ =	shalt  }
0x47: {  	_ =	shalt  }
0x48: {  	_ =	shalt  }
0x49: {  	_ =	shalt  }
0x4a: {  	_ =	shalt  }
0x4b: {  	_ =	shalt  }
0x4c: {  	_ =	shalt  }
0x4d: {  	_ =	shalt  }
0x4e: {  	_ =	shalt  }
0x4f: {  	_ =	shalt  }
0x50: {  	_ =	shalt  }
0x51: {  	_ =	shalt  }
0x52: {  	_ =	shalt  }
0x53: {  	_ =	shalt  }
0x54: {  	_ =	shalt  }
0x55: {  	_ =	shalt  }
0x56: {  	_ =	shalt  }
0x57: {  	_ =	shalt  }
0x58: {  	_ =	shalt  }
0x59: {  	_ =	shalt  }
0x5a: {  	_ =	shalt  }
0x5b: {  	_ =	shalt  }
0x5c: {  	_ =	shalt  }
0x5d: {  	_ =	shalt  }
0x5e: {  	_ =	shalt  }
0x5f: {  	_ =	shalt  }
0x60: {  	_ =	shalt  }
0x61: {  	_ =	shalt  }
0x62: {  	_ =	shalt  }
0x63: {  	_ =	shalt  }
0x64: {  	_ =	shalt  }
0x65: {  	_ =	shalt  }
0x66: {  	_ =	shalt  }
0x67: {  	_ =	shalt  }
0x68: {  	_ =	shalt  }
0x69: {  	_ =	shalt  }
0x6a: {  	_ =	shalt  }
0x6b: {  	_ =	shalt  }
0x6c: {  	_ =	shalt  }
0x6d: {  	_ =	shalt  }
0x6e: {  	_ =	shalt  }
0x6f: {  	_ =	shalt  }
0x70: {  	_ =	shalt  }
0x71: {  	_ =	shalt  }
0x72: {  	_ =	shalt  }
0x73: {  	_ =	shalt  }
0x74: {  	_ =	shalt  }
0x75: {  	_ =	shalt  }
0x76: {  	_ =	shalt  }
0x77: {  	_ =	shalt  }
0x78: {  	_ =	shalt  }
0x79: {  	_ =	shalt  }
0x7a: {  	_ =	shalt  }
0x7b: {  	_ =	shalt  }
0x7c: {  	_ =	shalt  }
0x7d: {  	_ =	shalt  }
0x7e: {  	_ =	shalt  }
0x7f: {  	_ =	shalt  }
0x80: {  	_ =	shalt  }
0x81: {  	_ =	shalt  }
0x82: {  	_ =	shalt  }
0x83: {  	_ =	shalt  }
0x84: {  	_ =	shalt  }
0x85: {  	_ =	shalt  }
0x86: {  	_ =	shalt  }
0x87: {  	_ =	shalt  }
.Lfunc_end0:
.L_simem_size_0:
called_computation.1_lowered:
.L_overlay_start_0:
0x88: {  	s2 =	sld [smem:$0x3FD9]  }
0x89: {  	s3 =	sld [smem:$0x3FFE];
	_ =	sdelay $0x1  }
0x8a: {  	s1 =	srdreg.scid  }
0x8b: {  	s0 =	sand.u32 $0x1, s1  }
0x8c: {  	s17 =	sshll.u32 s0, $0xA;
	s2 =	sadd.s32 s3, s2  }
0x8d: {  	s2 =	sadd.s32 s2, s17  }
0x8e: {  	[smem:$0x3FBC] =	sst s2  }
0x8f: {  	_ = 	snop  }
0x90: {  	s2 =	sld [smem:$0x3FC9]  }
0x91: {  	s18 =	sld [smem:$0x3FC8]  }
0x92: {  	s4 =	sld [smem:$0x3FC7];
	(tm) =	ssettm $0x1  }
0x93: {  	s5 =	sld [smem:$0x3FFB];
	_ =	sdelay $0x3  }
0x94: {  	_ =	strace s5  }
0x95: {  	s5 =	sld [smem:$0x3FFC];
	_ =	sdelay $0x3  }
0x96: {  	_ =	strace s5  }
0x97: {  	s5 =	sld [smem:$0x3FFD];
	_ =	sdelay $0x3  }
0x98: {  	_ =	strace s5  }
0x99: {  	_ =	strace $0x8FFFFFFF  }
0x9a: {  	s19 =	sld [smem:$0x3FDB];
	_ =	sdelay $0x1  }
0x9b: {  	s6 =	simm.s32 $_scs_section_size  }
0x9c: {  	s7 =	simm.s32 $_size__tile_overlayer_lowered;
	s8 =	simm.s32 $_tile_overlayer_lowered  }
0x9d: {  	s22 =	simm.s32 $0x1BFF;
	s21 =	sshll.u32 s8, $0x1;
	s5 =	sadd.s32 s6, s19  }
0x9e: {  	s9 =	simm.s32 $0x0;
	s20 =	sshll.u32 s7, $0x1;
	s7 =	sadd.s32 s21, s5  }
0x9f: {  	[timem:s9], [sflag:s22] =	dma.local [hbm:s7], s20  }
0xa0: {  	_ =	swait.ge [sflag:s22], s20  }
0xa1: {  	s6 =	ssub.s32 $0x0, s20;
	[sflag:s22] =	ssyncset.done $0x0  }
0xa2: {  	[sflag:s22] =	ssyncadd.s32 s6;
	_ =	sdelay $0x1  }
0xa3: {  	s23 =	simm.s32 $0x1B8B  }
0xa4: {  	_ =	swait.ge [sflag:s23], $0x1  }
0xa5: {  	[sflag:s23] =	ssyncset.done $0x0  }
0xa6: {  	s25 =	simm.s32 $0x1B8E;
	s24 =	sld [smem:$0x3FFE];
	[sflag:s23] =	ssyncadd.s32 $0xFFFFFFFF  }
0xa7: {  	s26 =	simm.s32 $execute0_lowered;
	[smem:$0x3FD2] =	sst s25  }
0xa8: {  	s7 =	sshll.u32 s26, $0x1;
	_ =	strace $0x80000049;
	[dreg:$0x1] =	wrdreg $0xFFFFFFFF  }
0xa9: {  	s28 =	simm.s32 $_size_execute0_lowered;
	s5 =	sadd.s32 s5, s7;
	[dreg:$0x0] =	wrdreg $0x0  }
0xaa: {  	s7 =	sshll.u32 s28, $0x1;
	[dreg:$0x2] =	wrdreg s5  }
0xab: {  	[dreg:$0x3] =	wrdreg s7  }
0xac: {  	[dreg:$0x4] =	wrdreg $0xC0  }
0xad: {  	_ =	task [dreg:s9], $0x5FFFF  }
0xae: {  	[dreg:$0x1] =	wrdreg $0xFFFFFFFF  }
0xaf: {  	[dreg:$0x0] =	wrdreg $0x60  }
0xb0: {  	[dreg:$0x2] =	wrdreg s2  }
0xb1: {  	[dreg:$0x3] =	wrdreg s18  }
0xb2: {  	[dreg:$0x4] =	wrdreg s4  }
0xb3: {  	[dreg:$0x5] =	wrdreg s24  }
0xb4: {  	[dreg:$0x6] =	wrdreg $0x9  }
0xb5: {  	_ =	task.clear_ibuf [dreg:s9], $0x7FFFF;
	_ =	strace $0x90000049  }
0xb6: {  	s29 =	simm.s32 $0x9;
	_ =	strace $0x8000004B  }
0xb7: {  	_ =	swait.ge [sflag:s29], $0x1  }
0xb8: {  	[sflag:s29] =	ssyncadd.s32 $0xFFFFFFFF  }
0xb9: {  	_ =	strace $0x9000004B  }
0xba: {  	_ =	sfence  }
0xbb: {  	s30 =	sld [smem:$0x0];
	_ =	sdelay $0x2  }
0xbc: {  	s31 =	sshll.u32 s1, $0xD;
	s1 =	sshrl.u32 s1, $0x2  }
0xbd: {  	s3 =	sand.u32 $0x4000, s31;
	s1 =	sadd.s32 s1, s30  }
0xbe: {  	s0 =	sor.u32 s3, s0;
	s1 =	sshll.u32 s1, $0x11  }
0xbf: {  	s0 =	sor.u32 s1, s0  }
0xc0: {  	s0 =	sadd.s32 $0x8F2B, s0  }
0xc1: {  	[sflag:s0] =	ssyncadd.remote.s32 $0x1  }
0xc2: {  	_ =	sfence.sel $0xFFFF  }
0xc3: {  	[dreg:$0x0] =	wrdreg $0xFFFFFFFF;
	(pc) =	sbr.abs _section_cstart, $3  }
0xc4: {  	[dreg:$0x1] =	wrdreg $0xFFFFFFFF  }
0xc5: {  	_ =	task.clear_ibuf [dreg:s9], $0x2FFFF;
	_ =	strace $0x9FFFFFFF  }
0xc6: {  	(tm) =	ssettm $0x7FFFFFFF  }
0xc7: {  	_ =	shalt  }
tec
execute0_lowered:
.L_overlay_start_1:
0x0: {  	(tag) =	ssettag $0x1  }
0x1: {  	s0 =	rddreg [dreg:$0x0]  }
0x2: {  	s1 =	rddreg [dreg:$0x1]  }
0x3: {  	s5 =	rddreg [dreg:$0x2]  }
0x4: {  	s6 =	rddreg [dreg:$0x3];
	s3 =	srdreg.scid;
	s2 =	simm.s32 $0x0  }
0x5: {  	s4 =	stileid.u32;
	s30 =	simm.s32 $0x200;
	s31 =	simm.s32 $0x400  }
0x6: {  	s28 =	simm.s32 $0x280;
	s29 =	simm.s32 $0x480;
	[smem:$0x7FF] =	sst s2  }
0x7: {  	s7 =	sand.u32 $0x1, s3;
	s3 =	sadd.s32 $0x103800, s6;
	s9 =	sadd.s32 $0x423800, s6  }
0x8: {  	p0 =	por $0x0, $0x0;
	s11 =	sadd.s32 $0x463800, s6;
	s18 =	sadd.s32 $0x4A3800, s6  }
0x9: {  	s4 =	sshll.u32 s4, $0xA;
	s8 =	sshll.u32 s7, $0x9;
	_ =	strace $0x8000004A  }
0xa: {  	s7 =	ssub.s32 $0x2, s7;
	s8 =	sor.u32 s8, s4;
	s4 =	sadd.s32 $0x293800, s6  }
0xb: {  	s12 =	sshrl.u32 s7, $0x1;
	s10 =	sshrl.u32 s8, $0x3;
	s15 =	sshll.u32 s8, $0x4  }
0xc: {  	s16 =	ssub.s32 s7, s12;
	s12 =	simm.s32 $0x80;
	s0 =	sadd.s32 s0, s10  }
0xd: {  	s13 =	sadd.s32 s1, s10;
	s14 =	sadd.s32 s5, s10;
	s17 =	sadd.s32 s9, s15  }
0xe: {  	s16 =	smax.u32 s16, $0x1;
	s25 =	sadd.s32 s11, s15;
	[dreg:$0x5] =	wrdreg s0  }
0xf: {  	s26 =	sadd.s32 s18, s15;
	s22 =	sor.u32 $0x800, s15;
	[dreg:$0x6] =	wrdreg s13  }
0x10: {  	s23 =	sor.u32 $0x1000, s15;
	s24 =	sor.u32 $0x1800, s15;
	[dreg:$0x7] =	wrdreg s14  }
0x11: {  	s5 =	simm.s32 $0x1;
	s10 =	simm.s32 $0x4600;
	[dreg:$0x8] =	wrdreg s17  }
0x12: {  	s19 =	sadd.s32 s9, s22;
	s20 =	sadd.s32 s11, s22;
	s21 =	sadd.s32 s18, s22  }
0x13: {  	s13 =	sadd.s32 s9, s23;
	s14 =	sadd.s32 s11, s23;
	p1 =	sne.s32 s16, $0x1  }
.Ltmp0:
0x14: {  	s15 =	sadd.s32 s18, s23;
	s6 =	sadd.s32 s9, s24;
	(pc) =	sbr.rel @!p1 .LBB2_3-.Ltmp0, $4  }
0x15: {  	s7 =	sadd.s32 s11, s24;
	s8 =	sadd.s32 s18, s24;
	s9 =	simm.s32 $0x600  }
0x16: {  	s11 =	simm.s32 $0x8600;
	s0 =	sadd.s32 $0xFFFFFFFF, s16;
	s22 =	simm.s32 $0x100  }
0x17: {  	s23 =	simm.s32 $0x300;
	s24 =	simm.s32 $0x500;
	s16 =	simm.s32 $0x180  }
0x18: {  	s17 =	simm.s32 $0x380;
	s18 =	simm.s32 $0x580;
	s1 =	rddreg [dreg:$0x5]  }
0x19: {  	[dreg:$0x9] =	wrdreg s0  }
0x1a: {  	[tilespmem:s2], [sflag:$0x1] =	stream.linear.gather [hbm4b:s1+s2], $0x200, $0x38;
	[tilespmem:$0xC600] =	vst v63  }
0x1b: {  	s0 =	rddreg [dreg:$0x6]  }
0x1c: {  	[tilespmem:s30], [sflag:$0x1] =	stream.linear.gather [hbm4b:s0+s2], $0x200, $0x38;
	[tilespmem:$0xC600] =	vst v63  }
0x1d: {  	s1 =	rddreg [dreg:$0x7]  }
0x1e: {  	[tilespmem:s31], [sflag:$0x1] =	stream.linear.gather [hbm4b:s1+s2], $0x200, $0x38;
	[tilespmem:$0xC600] =	vst v63  }
0x1f: {  	_ =	swait.ge [sflag:s5], $0x200  }
0x20: {  	[sflag:s5] =	ssyncset.done $0x0  }
0x21: {  	[sflag:s5] =	ssyncadd.s32 $0xFFFFFE00  }
0x22: {  	_ =	swait.ge [sflag:s5], $0x200  }
0x23: {  	[sflag:s5] =	ssyncset.done $0x0  }
0x24: {  	[sflag:s5] =	ssyncadd.s32 $0xFFFFFE00  }
0x25: {  	_ =	swait.ge [sflag:s5], $0x200  }
0x26: {  	[sflag:s5] =	ssyncset.done $0x0  }
0x27: {  	[sflag:s5] =	ssyncadd.s32 $0xFFFFFE00  }
0x28: {  	[tilespmem:s9], [sflag:$0x1] =	stream.indirect.gather [hbm4b:s3+s12], $0x80, s2, s12, $0xb8;
	[tilespmem:$0xC600] =	vst v63  }
0x29: {  	_ = 	snop  }
0x2a: {  	[tilespmem:s10], [sflag:$0x1] =	stream.indirect.gather [hbm4b:s4+s12], $0x80, s30, s12, $0xb8;
	[tilespmem:$0xC600] =	vst v63  }
0x2b: {  	_ = 	snop  }
0x2c: {  	[tilespmem:s11], [sflag:$0x1] =	stream.indirect.gather [hbm4b:s4+s12], $0x80, s31, s12, $0xb8;
	[tilespmem:$0xC600] =	vst v63  }
0x2d: {  	_ =	swait.ge [sflag:s5], $0x4000  }
0x2e: {  	[sflag:s5] =	ssyncset.done $0x0  }
0x2f: {  	[sflag:s5] =	ssyncadd.s32 $0xFFFFC000  }
0x30: {  	_ =	swait.ge [sflag:s5], $0x4000  }
0x31: {  	[sflag:s5] =	ssyncset.done $0x0  }
0x32: {  	[sflag:s5] =	ssyncadd.s32 $0xFFFFC000  }
0x33: {  	_ =	swait.ge [sflag:s5], $0x4000  }
0x34: {  	[sflag:s5] =	ssyncset.done $0x0  }
0x35: {  	s1 =	rddreg [dreg:$0x8];
	[sflag:s5] =	ssyncadd.s32 $0xFFFFC000  }
0x36: {  	[hbm4b:s1+s2] =	stream.linear.scatter [tilespmem:s9], [sflag:$0x1], $0x4000, $0x38;
	[tilespmem:$0xC600] =	vst v63  }
0x37: {  	_ = 	snop  }
0x38: {  	[hbm4b:s25+s2] =	stream.linear.scatter [tilespmem:s10], [sflag:$0x1], $0x4000, $0x38;
	[tilespmem:$0xC600] =	vst v63  }
0x39: {  	_ = 	snop  }
0x3a: {  	[hbm4b:s26+s2] =	stream.linear.scatter [tilespmem:s11], [sflag:$0x1], $0x4000, $0x38;
	[tilespmem:$0xC600] =	vst v63  }
0x3b: {  	_ =	swait.ge [sflag:s5], $0x4000  }
0x3c: {  	[sflag:s5] =	ssyncset.done $0x0  }
0x3d: {  	[sflag:s5] =	ssyncadd.s32 $0xFFFFC000  }
0x3e: {  	_ =	swait.ge [sflag:s5], $0x4000  }
0x3f: {  	[sflag:s5] =	ssyncset.done $0x0  }
0x40: {  	[sflag:s5] =	ssyncadd.s32 $0xFFFFC000  }
0x41: {  	_ =	swait.ge [sflag:s5], $0x4000  }
0x42: {  	[sflag:s5] =	ssyncset.done $0x0  }
0x43: {  	[sflag:s5] =	ssyncadd.s32 $0xFFFFC000  }
0x44: {  	[tilespmem:s9], [sflag:$0x1] =	stream.indirect.gather [hbm4b:s3+s12], $0x80, s12, s12, $0xb8;
	[tilespmem:$0xC600] =	vst v63  }
0x45: {  	_ = 	snop  }
0x46: {  	[tilespmem:s10], [sflag:$0x1] =	stream.indirect.gather [hbm4b:s4+s12], $0x80, s28, s12, $0xb8;
	[tilespmem:$0xC600] =	vst v63  }
0x47: {  	_ = 	snop  }
0x48: {  	[tilespmem:s11], [sflag:$0x1] =	stream.indirect.gather [hbm4b:s4+s12], $0x80, s29, s12, $0xb8;
	[tilespmem:$0xC600] =	vst v63  }
0x49: {  	_ =	swait.ge [sflag:s5], $0x4000  }
0x4a: {  	[sflag:s5] =	ssyncset.done $0x0  }
0x4b: {  	[sflag:s5] =	ssyncadd.s32 $0xFFFFC000  }
0x4c: {  	_ =	swait.ge [sflag:s5], $0x4000  }
0x4d: {  	[sflag:s5] =	ssyncset.done $0x0  }
0x4e: {  	[sflag:s5] =	ssyncadd.s32 $0xFFFFC000  }
0x4f: {  	_ =	swait.ge [sflag:s5], $0x4000  }
0x50: {  	[sflag:s5] =	ssyncset.done $0x0  }
0x51: {  	[sflag:s5] =	ssyncadd.s32 $0xFFFFC000  }
0x52: {  	[hbm4b:s19+s2] =	stream.linear.scatter [tilespmem:s9], [sflag:$0x1], $0x4000, $0x38;
	[tilespmem:$0xC600] =	vst v63  }
0x53: {  	_ = 	snop  }
0x54: {  	[hbm4b:s20+s2] =	stream.linear.scatter [tilespmem:s10], [sflag:$0x1], $0x4000, $0x38;
	[tilespmem:$0xC600] =	vst v63  }
0x55: {  	_ = 	snop  }
0x56: {  	[hbm4b:s21+s2] =	stream.linear.scatter [tilespmem:s11], [sflag:$0x1], $0x4000, $0x38;
	[tilespmem:$0xC600] =	vst v63  }
0x57: {  	_ =	swait.ge [sflag:s5], $0x4000  }
0x58: {  	[sflag:s5] =	ssyncset.done $0x0  }
0x59: {  	[sflag:s5] =	ssyncadd.s32 $0xFFFFC000  }
0x5a: {  	_ =	swait.ge [sflag:s5], $0x4000  }
0x5b: {  	[sflag:s5] =	ssyncset.done $0x0  }
0x5c: {  	[sflag:s5] =	ssyncadd.s32 $0xFFFFC000  }
0x5d: {  	_ =	swait.ge [sflag:s5], $0x4000  }
0x5e: {  	[sflag:s5] =	ssyncset.done $0x0  }
0x5f: {  	[sflag:s5] =	ssyncadd.s32 $0xFFFFC000  }
0x60: {  	[tilespmem:s9], [sflag:$0x1] =	stream.indirect.gather [hbm4b:s3+s12], $0x80, s22, s12, $0xb8;
	[tilespmem:$0xC600] =	vst v63  }
0x61: {  	_ = 	snop  }
0x62: {  	[tilespmem:s10], [sflag:$0x1] =	stream.indirect.gather [hbm4b:s4+s12], $0x80, s23, s12, $0xb8;
	[tilespmem:$0xC600] =	vst v63  }
0x63: {  	_ = 	snop  }
0x64: {  	[tilespmem:s11], [sflag:$0x1] =	stream.indirect.gather [hbm4b:s4+s12], $0x80, s24, s12, $0xb8;
	[tilespmem:$0xC600] =	vst v63  }
0x65: {  	_ =	swait.ge [sflag:s5], $0x4000  }
0x66: {  	[sflag:s5] =	ssyncset.done $0x0  }
0x67: {  	[sflag:s5] =	ssyncadd.s32 $0xFFFFC000  }
0x68: {  	_ =	swait.ge [sflag:s5], $0x4000  }
0x69: {  	[sflag:s5] =	ssyncset.done $0x0  }
0x6a: {  	[sflag:s5] =	ssyncadd.s32 $0xFFFFC000  }
0x6b: {  	_ =	swait.ge [sflag:s5], $0x4000  }
0x6c: {  	[sflag:s5] =	ssyncset.done $0x0  }
0x6d: {  	[sflag:s5] =	ssyncadd.s32 $0xFFFFC000  }
0x6e: {  	[hbm4b:s13+s2] =	stream.linear.scatter [tilespmem:s9], [sflag:$0x1], $0x4000, $0x38;
	[tilespmem:$0xC600] =	vst v63  }
0x6f: {  	_ = 	snop  }
0x70: {  	[hbm4b:s14+s2] =	stream.linear.scatter [tilespmem:s10], [sflag:$0x1], $0x4000, $0x38;
	[tilespmem:$0xC600] =	vst v63  }
0x71: {  	_ = 	snop  }
0x72: {  	[hbm4b:s15+s2] =	stream.linear.scatter [tilespmem:s11], [sflag:$0x1], $0x4000, $0x38;
	[tilespmem:$0xC600] =	vst v63  }
0x73: {  	_ =	swait.ge [sflag:s5], $0x4000  }
0x74: {  	[sflag:s5] =	ssyncset.done $0x0  }
0x75: {  	[sflag:s5] =	ssyncadd.s32 $0xFFFFC000  }
0x76: {  	_ =	swait.ge [sflag:s5], $0x4000  }
0x77: {  	[sflag:s5] =	ssyncset.done $0x0  }
0x78: {  	[sflag:s5] =	ssyncadd.s32 $0xFFFFC000  }
0x79: {  	_ =	swait.ge [sflag:s5], $0x4000  }
0x7a: {  	[sflag:s5] =	ssyncset.done $0x0  }
0x7b: {  	[sflag:s5] =	ssyncadd.s32 $0xFFFFC000  }
0x7c: {  	[tilespmem:s9], [sflag:$0x1] =	stream.indirect.gather [hbm4b:s3+s12], $0x80, s16, s12, $0xb8;
	[tilespmem:$0xC600] =	vst v63  }
0x7d: {  	_ = 	snop  }
0x7e: {  	[tilespmem:s10], [sflag:$0x1] =	stream.indirect.gather [hbm4b:s4+s12], $0x80, s17, s12, $0xb8;
	[tilespmem:$0xC600] =	vst v63  }
0x7f: {  	_ = 	snop  }
0x80: {  	[tilespmem:s11], [sflag:$0x1] =	stream.indirect.gather [hbm4b:s4+s12], $0x80, s18, s12, $0xb8;
	[tilespmem:$0xC600] =	vst v63  }
0x81: {  	_ =	swait.ge [sflag:s5], $0x4000  }
0x82: {  	[sflag:s5] =	ssyncset.done $0x0  }
0x83: {  	[sflag:s5] =	ssyncadd.s32 $0xFFFFC000  }
0x84: {  	_ =	swait.ge [sflag:s5], $0x4000  }
0x85: {  	[sflag:s5] =	ssyncset.done $0x0  }
0x86: {  	[sflag:s5] =	ssyncadd.s32 $0xFFFFC000  }
0x87: {  	_ =	swait.ge [sflag:s5], $0x4000  }
0x88: {  	[sflag:s5] =	ssyncset.done $0x0  }
0x89: {  	[sflag:s5] =	ssyncadd.s32 $0xFFFFC000  }
0x8a: {  	[hbm4b:s6+s2] =	stream.linear.scatter [tilespmem:s9], [sflag:$0x1], $0x4000, $0x38;
	[tilespmem:$0xC600] =	vst v63  }
0x8b: {  	_ = 	snop  }
0x8c: {  	[hbm4b:s7+s2] =	stream.linear.scatter [tilespmem:s10], [sflag:$0x1], $0x4000, $0x38;
	[tilespmem:$0xC600] =	vst v63  }
0x8d: {  	_ = 	snop  }
0x8e: {  	[hbm4b:s8+s2] =	stream.linear.scatter [tilespmem:s11], [sflag:$0x1], $0x4000, $0x38;
	[tilespmem:$0xC600] =	vst v63  }
0x8f: {  	_ =	swait.ge [sflag:s5], $0x4000  }
0x90: {  	[sflag:s5] =	ssyncset.done $0x0  }
0x91: {  	[sflag:s5] =	ssyncadd.s32 $0xFFFFC000  }
0x92: {  	_ =	swait.ge [sflag:s5], $0x4000  }
0x93: {  	s1 =	rddreg [dreg:$0x9]  }
0x94: {  	p1 =	sne.s32 s1, $0x1  }
.Ltmp1:
0x95: {  	_ = 	snop;
	(pc) =	sbr.rel @!p1 .LBB2_3-.Ltmp1, $4  }
0x96: {  	[sflag:s5] =	ssyncset.done $0x0  }
0x97: {  	[sflag:s5] =	ssyncadd.s32 $0xFFFFC000  }
0x98: {  	p0 =	por $0x1, $0x1;
	_ =	swait.ge [sflag:s5], $0x4000  }
0x99: {  	s0 =	sadd.s32 $0xFFFFFFFF, s1;
	s1 =	rddreg [dreg:$0x5];
	[sflag:s5] =	ssyncset.done $0x0  }
.LBB2_2:
0x9a: {  	[sflag:s5] =	ssyncadd.s32 $0xFFFFC000  }
0x9b: {  	[tilespmem:s2], [sflag:$0x1] =	stream.linear.gather [hbm4b:s1+s2], $0x200, $0x38;
	[tilespmem:$0xC600] =	vst v63  }
0x9c: {  	s16 =	rddreg [dreg:$0x6]  }
0x9d: {  	[tilespmem:s30], [sflag:$0x1] =	stream.linear.gather [hbm4b:s16+s2], $0x200, $0x38;
	[tilespmem:$0xC600] =	vst v63  }
0x9e: {  	s1 =	rddreg [dreg:$0x7]  }
0x9f: {  	[tilespmem:s31], [sflag:$0x1] =	stream.linear.gather [hbm4b:s1+s2], $0x200, $0x38;
	[tilespmem:$0xC600] =	vst v63  }
0xa0: {  	_ =	swait.ge [sflag:s5], $0x200  }
0xa1: {  	[sflag:s5] =	ssyncset.done $0x0  }
0xa2: {  	[sflag:s5] =	ssyncadd.s32 $0xFFFFFE00  }
0xa3: {  	_ =	swait.ge [sflag:s5], $0x200  }
0xa4: {  	[sflag:s5] =	ssyncset.done $0x0  }
0xa5: {  	[sflag:s5] =	ssyncadd.s32 $0xFFFFFE00  }
0xa6: {  	_ =	swait.ge [sflag:s5], $0x200  }
0xa7: {  	[sflag:s5] =	ssyncset.done $0x0  }
0xa8: {  	[sflag:s5] =	ssyncadd.s32 $0xFFFFFE00  }
0xa9: {  	[tilespmem:s9], [sflag:$0x1] =	stream.indirect.gather [hbm4b:s3+s12], $0x80, s2, s12, $0xb8;
	[tilespmem:$0xC600] =	vst v63  }
0xaa: {  	_ = 	snop  }
0xab: {  	[tilespmem:s10], [sflag:$0x1] =	stream.indirect.gather [hbm4b:s4+s12], $0x80, s30, s12, $0xb8;
	[tilespmem:$0xC600] =	vst v63  }
0xac: {  	_ = 	snop  }
0xad: {  	[tilespmem:s11], [sflag:$0x1] =	stream.indirect.gather [hbm4b:s4+s12], $0x80, s31, s12, $0xb8;
	[tilespmem:$0xC600] =	vst v63  }
0xae: {  	_ =	swait.ge [sflag:s5], $0x4000  }
0xaf: {  	[sflag:s5] =	ssyncset.done $0x0  }
0xb0: {  	[sflag:s5] =	ssyncadd.s32 $0xFFFFC000  }
0xb1: {  	_ =	swait.ge [sflag:s5], $0x4000  }
0xb2: {  	[sflag:s5] =	ssyncset.done $0x0  }
0xb3: {  	[sflag:s5] =	ssyncadd.s32 $0xFFFFC000  }
0xb4: {  	_ =	swait.ge [sflag:s5], $0x4000  }
0xb5: {  	[sflag:s5] =	ssyncset.done $0x0  }
0xb6: {  	s1 =	rddreg [dreg:$0x8];
	[sflag:s5] =	ssyncadd.s32 $0xFFFFC000  }
0xb7: {  	[hbm4b:s1+s2] =	stream.linear.scatter [tilespmem:s9], [sflag:$0x1], $0x4000, $0x38;
	[tilespmem:$0xC600] =	vst v63  }
0xb8: {  	_ = 	snop  }
0xb9: {  	[hbm4b:s25+s2] =	stream.linear.scatter [tilespmem:s10], [sflag:$0x1], $0x4000, $0x38;
	[tilespmem:$0xC600] =	vst v63  }
0xba: {  	_ = 	snop  }
0xbb: {  	[hbm4b:s26+s2] =	stream.linear.scatter [tilespmem:s11], [sflag:$0x1], $0x4000, $0x38;
	[tilespmem:$0xC600] =	vst v63  }
0xbc: {  	_ =	swait.ge [sflag:s5], $0x4000  }
0xbd: {  	[sflag:s5] =	ssyncset.done $0x0  }
0xbe: {  	[sflag:s5] =	ssyncadd.s32 $0xFFFFC000  }
0xbf: {  	_ =	swait.ge [sflag:s5], $0x4000  }
0xc0: {  	[sflag:s5] =	ssyncset.done $0x0  }
0xc1: {  	[sflag:s5] =	ssyncadd.s32 $0xFFFFC000  }
0xc2: {  	_ =	swait.ge [sflag:s5], $0x4000  }
0xc3: {  	[sflag:s5] =	ssyncset.done $0x0  }
0xc4: {  	[sflag:s5] =	ssyncadd.s32 $0xFFFFC000  }
0xc5: {  	[tilespmem:s9], [sflag:$0x1] =	stream.indirect.gather [hbm4b:s3+s12], $0x80, s12, s12, $0xb8;
	[tilespmem:$0xC600] =	vst v63  }
0xc6: {  	_ = 	snop  }
0xc7: {  	[tilespmem:s10], [sflag:$0x1] =	stream.indirect.gather [hbm4b:s4+s12], $0x80, s28, s12, $0xb8;
	[tilespmem:$0xC600] =	vst v63  }
0xc8: {  	_ = 	snop  }
0xc9: {  	[tilespmem:s11], [sflag:$0x1] =	stream.indirect.gather [hbm4b:s4+s12], $0x80, s29, s12, $0xb8;
	[tilespmem:$0xC600] =	vst v63  }
0xca: {  	_ =	swait.ge [sflag:s5], $0x4000  }
0xcb: {  	[sflag:s5] =	ssyncset.done $0x0  }
0xcc: {  	[sflag:s5] =	ssyncadd.s32 $0xFFFFC000  }
0xcd: {  	_ =	swait.ge [sflag:s5], $0x4000  }
0xce: {  	[sflag:s5] =	ssyncset.done $0x0  }
0xcf: {  	[sflag:s5] =	ssyncadd.s32 $0xFFFFC000  }
0xd0: {  	_ =	swait.ge [sflag:s5], $0x4000  }
0xd1: {  	[sflag:s5] =	ssyncset.done $0x0  }
0xd2: {  	[sflag:s5] =	ssyncadd.s32 $0xFFFFC000  }
0xd3: {  	[hbm4b:s19+s2] =	stream.linear.scatter [tilespmem:s9], [sflag:$0x1], $0x4000, $0x38;
	[tilespmem:$0xC600] =	vst v63  }
0xd4: {  	_ = 	snop  }
0xd5: {  	[hbm4b:s20+s2] =	stream.linear.scatter [tilespmem:s10], [sflag:$0x1], $0x4000, $0x38;
	[tilespmem:$0xC600] =	vst v63  }
0xd6: {  	_ = 	snop  }
0xd7: {  	[hbm4b:s21+s2] =	stream.linear.scatter [tilespmem:s11], [sflag:$0x1], $0x4000, $0x38;
	[tilespmem:$0xC600] =	vst v63  }
0xd8: {  	_ =	swait.ge [sflag:s5], $0x4000  }
0xd9: {  	[sflag:s5] =	ssyncset.done $0x0  }
0xda: {  	[sflag:s5] =	ssyncadd.s32 $0xFFFFC000  }
0xdb: {  	_ =	swait.ge [sflag:s5], $0x4000  }
0xdc: {  	[sflag:s5] =	ssyncset.done $0x0  }
0xdd: {  	[sflag:s5] =	ssyncadd.s32 $0xFFFFC000  }
0xde: {  	_ =	swait.ge [sflag:s5], $0x4000  }
0xdf: {  	[sflag:s5] =	ssyncset.done $0x0  }
0xe0: {  	[sflag:s5] =	ssyncadd.s32 $0xFFFFC000  }
0xe1: {  	[tilespmem:s9], [sflag:$0x1] =	stream.indirect.gather [hbm4b:s3+s12], $0x80, s22, s12, $0xb8;
	[tilespmem:$0xC600] =	vst v63  }
0xe2: {  	_ = 	snop  }
0xe3: {  	[tilespmem:s10], [sflag:$0x1] =	stream.indirect.gather [hbm4b:s4+s12], $0x80, s23, s12, $0xb8;
	[tilespmem:$0xC600] =	vst v63  }
0xe4: {  	_ = 	snop  }
0xe5: {  	[tilespmem:s11], [sflag:$0x1] =	stream.indirect.gather [hbm4b:s4+s12], $0x80, s24, s12, $0xb8;
	[tilespmem:$0xC600] =	vst v63  }
0xe6: {  	_ =	swait.ge [sflag:s5], $0x4000  }
0xe7: {  	[sflag:s5] =	ssyncset.done $0x0  }
0xe8: {  	[sflag:s5] =	ssyncadd.s32 $0xFFFFC000  }
0xe9: {  	_ =	swait.ge [sflag:s5], $0x4000  }
0xea: {  	[sflag:s5] =	ssyncset.done $0x0  }
0xeb: {  	[sflag:s5] =	ssyncadd.s32 $0xFFFFC000  }
0xec: {  	_ =	swait.ge [sflag:s5], $0x4000  }
0xed: {  	[sflag:s5] =	ssyncset.done $0x0  }
0xee: {  	[sflag:s5] =	ssyncadd.s32 $0xFFFFC000  }
0xef: {  	[hbm4b:s13+s2] =	stream.linear.scatter [tilespmem:s9], [sflag:$0x1], $0x4000, $0x38;
	[tilespmem:$0xC600] =	vst v63  }
0xf0: {  	_ = 	snop  }
0xf1: {  	[hbm4b:s14+s2] =	stream.linear.scatter [tilespmem:s10], [sflag:$0x1], $0x4000, $0x38;
	[tilespmem:$0xC600] =	vst v63  }
0xf2: {  	_ = 	snop  }
0xf3: {  	[hbm4b:s15+s2] =	stream.linear.scatter [tilespmem:s11], [sflag:$0x1], $0x4000, $0x38;
	[tilespmem:$0xC600] =	vst v63  }
0xf4: {  	_ =	swait.ge [sflag:s5], $0x4000  }
0xf5: {  	[sflag:s5] =	ssyncset.done $0x0  }
0xf6: {  	[sflag:s5] =	ssyncadd.s32 $0xFFFFC000  }
0xf7: {  	_ =	swait.ge [sflag:s5], $0x4000  }
0xf8: {  	[sflag:s5] =	ssyncset.done $0x0  }
0xf9: {  	[sflag:s5] =	ssyncadd.s32 $0xFFFFC000  }
0xfa: {  	_ =	swait.ge [sflag:s5], $0x4000  }
0xfb: {  	[sflag:s5] =	ssyncset.done $0x0  }
0xfc: {  	s16 =	simm.s32 $0x180;
	[sflag:s5] =	ssyncadd.s32 $0xFFFFC000  }
0xfd: {  	[tilespmem:s9], [sflag:$0x1] =	stream.indirect.gather [hbm4b:s3+s12], $0x80, s16, s12, $0xb8;
	[tilespmem:$0xC600] =	vst v63  }
0xfe: {  	_ = 	snop  }
0xff: {  	[tilespmem:s10], [sflag:$0x1] =	stream.indirect.gather [hbm4b:s4+s12], $0x80, s17, s12, $0xb8;
	[tilespmem:$0xC600] =	vst v63  }
0x100: {  	_ = 	snop  }
0x101: {  	[tilespmem:s11], [sflag:$0x1] =	stream.indirect.gather [hbm4b:s4+s12], $0x80, s18, s12, $0xb8;
	[tilespmem:$0xC600] =	vst v63  }
0x102: {  	_ =	swait.ge [sflag:s5], $0x4000  }
0x103: {  	[sflag:s5] =	ssyncset.done $0x0  }
0x104: {  	[sflag:s5] =	ssyncadd.s32 $0xFFFFC000  }
0x105: {  	_ =	swait.ge [sflag:s5], $0x4000  }
0x106: {  	[sflag:s5] =	ssyncset.done $0x0  }
0x107: {  	[sflag:s5] =	ssyncadd.s32 $0xFFFFC000  }
0x108: {  	_ =	swait.ge [sflag:s5], $0x4000  }
0x109: {  	[sflag:s5] =	ssyncset.done $0x0  }
0x10a: {  	[sflag:s5] =	ssyncadd.s32 $0xFFFFC000  }
0x10b: {  	[hbm4b:s6+s2] =	stream.linear.scatter [tilespmem:s9], [sflag:$0x1], $0x4000, $0x38;
	[tilespmem:$0xC600] =	vst v63  }
0x10c: {  	_ = 	snop  }
0x10d: {  	[hbm4b:s7+s2] =	stream.linear.scatter [tilespmem:s10], [sflag:$0x1], $0x4000, $0x38;
	[tilespmem:$0xC600] =	vst v63  }
0x10e: {  	_ = 	snop  }
0x10f: {  	[hbm4b:s8+s2] =	stream.linear.scatter [tilespmem:s11], [sflag:$0x1], $0x4000, $0x38;
	[tilespmem:$0xC600] =	vst v63  }
0x110: {  	_ =	swait.ge [sflag:s5], $0x4000  }
0x111: {  	[sflag:s5] =	ssyncset.done $0x0  }
0x112: {  	p1 =	sne.s32 s0, $0x1;
	[sflag:s5] =	ssyncadd.s32 $0xFFFFC000  }
.Ltmp2:
0x113: {  	_ =	swait.ge [sflag:s5], $0x4000;
	(pc) =	sbr.rel @p1 .LBB2_2-.Ltmp2, $4  }
0x114: {  	[sflag:s5] =	ssyncset.done $0x0  }
0x115: {  	[sflag:s5] =	ssyncadd.s32 $0xFFFFC000  }
0x116: {  	_ =	swait.ge [sflag:s5], $0x4000  }
0x117: {  	s0 =	sadd.s32 $0xFFFFFFFF, s0;
	s1 =	rddreg [dreg:$0x5];
	[sflag:s5] =	ssyncset.done $0x0  }
.LBB2_3:
0x118: {  	[sflag:s5] =	ssyncadd.s32 @p0 $0xFFFFC000  }
0x119: {  	[tilespmem:s2], [sflag:$0x1] =	stream.linear.gather [hbm4b:s1+s2], $0x200, $0x38;
	[tilespmem:$0xC600] =	vst v63  }
0x11a: {  	s0 =	rddreg [dreg:$0x6]  }
0x11b: {  	[tilespmem:s30], [sflag:$0x1] =	stream.linear.gather [hbm4b:s0+s2], $0x200, $0x38;
	[tilespmem:$0xC600] =	vst v63  }
0x11c: {  	s1 =	rddreg [dreg:$0x7]  }
0x11d: {  	[tilespmem:s31], [sflag:$0x1] =	stream.linear.gather [hbm4b:s1+s2], $0x200, $0x38;
	[tilespmem:$0xC600] =	vst v63  }
0x11e: {  	_ =	swait.ge [sflag:s5], $0x200  }
0x11f: {  	[sflag:s5] =	ssyncset.done $0x0  }
0x120: {  	[sflag:s5] =	ssyncadd.s32 $0xFFFFFE00  }
0x121: {  	_ =	swait.ge [sflag:s5], $0x200  }
0x122: {  	[sflag:s5] =	ssyncset.done $0x0  }
0x123: {  	[sflag:s5] =	ssyncadd.s32 $0xFFFFFE00  }
0x124: {  	_ =	swait.ge [sflag:s5], $0x200  }
0x125: {  	[sflag:s5] =	ssyncset.done $0x0  }
0x126: {  	[sflag:s5] =	ssyncadd.s32 $0xFFFFFE00  }
0x127: {  	[tilespmem:s9], [sflag:$0x1] =	stream.indirect.gather [hbm4b:s3+s12], $0x80, s2, s12, $0xb8;
	[tilespmem:$0xC600] =	vst v63  }
0x128: {  	_ = 	snop  }
0x129: {  	[tilespmem:s10], [sflag:$0x1] =	stream.indirect.gather [hbm4b:s4+s12], $0x80, s30, s12, $0xb8;
	[tilespmem:$0xC600] =	vst v63  }
0x12a: {  	_ = 	snop  }
0x12b: {  	[tilespmem:s11], [sflag:$0x1] =	stream.indirect.gather [hbm4b:s4+s12], $0x80, s31, s12, $0xb8;
	[tilespmem:$0xC600] =	vst v63  }
0x12c: {  	_ =	swait.ge [sflag:s5], $0x4000  }
0x12d: {  	[sflag:s5] =	ssyncset.done $0x0  }
0x12e: {  	[sflag:s5] =	ssyncadd.s32 $0xFFFFC000  }
0x12f: {  	_ =	swait.ge [sflag:s5], $0x4000  }
0x130: {  	[sflag:s5] =	ssyncset.done $0x0  }
0x131: {  	[sflag:s5] =	ssyncadd.s32 $0xFFFFC000  }
0x132: {  	_ =	swait.ge [sflag:s5], $0x4000  }
0x133: {  	[sflag:s5] =	ssyncset.done $0x0  }
0x134: {  	s30 =	rddreg [dreg:$0x8];
	[sflag:s5] =	ssyncadd.s32 $0xFFFFC000  }
0x135: {  	[hbm4b:s30+s2] =	stream.linear.scatter [tilespmem:s9], [sflag:$0x1], $0x4000, $0x38;
	[tilespmem:$0xC600] =	vst v63  }
0x136: {  	_ = 	snop  }
0x137: {  	[hbm4b:s25+s2] =	stream.linear.scatter [tilespmem:s10], [sflag:$0x1], $0x4000, $0x38;
	[tilespmem:$0xC600] =	vst v63  }
0x138: {  	_ = 	snop  }
0x139: {  	[hbm4b:s26+s2] =	stream.linear.scatter [tilespmem:s11], [sflag:$0x1], $0x4000, $0x38;
	[tilespmem:$0xC600] =	vst v63  }
0x13a: {  	_ =	swait.ge [sflag:s5], $0x4000  }
0x13b: {  	[sflag:s5] =	ssyncset.done $0x0  }
0x13c: {  	[sflag:s5] =	ssyncadd.s32 $0xFFFFC000  }
0x13d: {  	_ =	swait.ge [sflag:s5], $0x4000  }
0x13e: {  	[sflag:s5] =	ssyncset.done $0x0  }
0x13f: {  	[sflag:s5] =	ssyncadd.s32 $0xFFFFC000  }
0x140: {  	_ =	swait.ge [sflag:s5], $0x4000  }
0x141: {  	[sflag:s5] =	ssyncset.done $0x0  }
0x142: {  	[sflag:s5] =	ssyncadd.s32 $0xFFFFC000  }
0x143: {  	[tilespmem:s9], [sflag:$0x1] =	stream.indirect.gather [hbm4b:s3+s12], $0x80, s12, s12, $0xb8;
	[tilespmem:$0xC600] =	vst v63  }
0x144: {  	_ = 	snop  }
0x145: {  	[tilespmem:s10], [sflag:$0x1] =	stream.indirect.gather [hbm4b:s4+s12], $0x80, s28, s12, $0xb8;
	[tilespmem:$0xC600] =	vst v63  }
0x146: {  	_ = 	snop  }
0x147: {  	[tilespmem:s11], [sflag:$0x1] =	stream.indirect.gather [hbm4b:s4+s12], $0x80, s29, s12, $0xb8;
	[tilespmem:$0xC600] =	vst v63  }
0x148: {  	_ =	swait.ge [sflag:s5], $0x4000  }
0x149: {  	[sflag:s5] =	ssyncset.done $0x0  }
0x14a: {  	[sflag:s5] =	ssyncadd.s32 $0xFFFFC000  }
0x14b: {  	_ =	swait.ge [sflag:s5], $0x4000  }
0x14c: {  	[sflag:s5] =	ssyncset.done $0x0  }
0x14d: {  	[sflag:s5] =	ssyncadd.s32 $0xFFFFC000  }
0x14e: {  	_ =	swait.ge [sflag:s5], $0x4000  }
0x14f: {  	[sflag:s5] =	ssyncset.done $0x0  }
0x150: {  	[sflag:s5] =	ssyncadd.s32 $0xFFFFC000  }
0x151: {  	[hbm4b:s19+s2] =	stream.linear.scatter [tilespmem:s9], [sflag:$0x1], $0x4000, $0x38;
	[tilespmem:$0xC600] =	vst v63  }
0x152: {  	_ = 	snop  }
0x153: {  	[hbm4b:s20+s2] =	stream.linear.scatter [tilespmem:s10], [sflag:$0x1], $0x4000, $0x38;
	[tilespmem:$0xC600] =	vst v63  }
0x154: {  	_ = 	snop  }
0x155: {  	[hbm4b:s21+s2] =	stream.linear.scatter [tilespmem:s11], [sflag:$0x1], $0x4000, $0x38;
	[tilespmem:$0xC600] =	vst v63  }
0x156: {  	_ =	swait.ge [sflag:s5], $0x4000  }
0x157: {  	[sflag:s5] =	ssyncset.done $0x0  }
0x158: {  	[sflag:s5] =	ssyncadd.s32 $0xFFFFC000  }
0x159: {  	_ =	swait.ge [sflag:s5], $0x4000  }
0x15a: {  	[sflag:s5] =	ssyncset.done $0x0  }
0x15b: {  	[sflag:s5] =	ssyncadd.s32 $0xFFFFC000  }
0x15c: {  	_ =	swait.ge [sflag:s5], $0x4000  }
0x15d: {  	[sflag:s5] =	ssyncset.done $0x0  }
0x15e: {  	[sflag:s5] =	ssyncadd.s32 $0xFFFFC000  }
0x15f: {  	[tilespmem:s9], [sflag:$0x1] =	stream.indirect.gather [hbm4b:s3+s12], $0x80, s22, s12, $0xb8;
	[tilespmem:$0xC600] =	vst v63  }
0x160: {  	_ = 	snop  }
0x161: {  	[tilespmem:s10], [sflag:$0x1] =	stream.indirect.gather [hbm4b:s4+s12], $0x80, s23, s12, $0xb8;
	[tilespmem:$0xC600] =	vst v63  }
0x162: {  	_ = 	snop  }
0x163: {  	[tilespmem:s11], [sflag:$0x1] =	stream.indirect.gather [hbm4b:s4+s12], $0x80, s24, s12, $0xb8;
	[tilespmem:$0xC600] =	vst v63  }
0x164: {  	_ =	swait.ge [sflag:s5], $0x4000  }
0x165: {  	[sflag:s5] =	ssyncset.done $0x0  }
0x166: {  	[sflag:s5] =	ssyncadd.s32 $0xFFFFC000  }
0x167: {  	_ =	swait.ge [sflag:s5], $0x4000  }
0x168: {  	[sflag:s5] =	ssyncset.done $0x0  }
0x169: {  	[sflag:s5] =	ssyncadd.s32 $0xFFFFC000  }
0x16a: {  	_ =	swait.ge [sflag:s5], $0x4000  }
0x16b: {  	[sflag:s5] =	ssyncset.done $0x0  }
0x16c: {  	[sflag:s5] =	ssyncadd.s32 $0xFFFFC000  }
0x16d: {  	[hbm4b:s13+s2] =	stream.linear.scatter [tilespmem:s9], [sflag:$0x1], $0x4000, $0x38;
	[tilespmem:$0xC600] =	vst v63  }
0x16e: {  	_ = 	snop  }
0x16f: {  	[hbm4b:s14+s2] =	stream.linear.scatter [tilespmem:s10], [sflag:$0x1], $0x4000, $0x38;
	[tilespmem:$0xC600] =	vst v63  }
0x170: {  	_ = 	snop  }
0x171: {  	[hbm4b:s15+s2] =	stream.linear.scatter [tilespmem:s11], [sflag:$0x1], $0x4000, $0x38;
	[tilespmem:$0xC600] =	vst v63  }
0x172: {  	_ =	swait.ge [sflag:s5], $0x4000  }
0x173: {  	[sflag:s5] =	ssyncset.done $0x0  }
0x174: {  	[sflag:s5] =	ssyncadd.s32 $0xFFFFC000  }
0x175: {  	_ =	swait.ge [sflag:s5], $0x4000  }
0x176: {  	[sflag:s5] =	ssyncset.done $0x0  }
0x177: {  	[sflag:s5] =	ssyncadd.s32 $0xFFFFC000  }
0x178: {  	_ =	swait.ge [sflag:s5], $0x4000  }
0x179: {  	[sflag:s5] =	ssyncset.done $0x0  }
0x17a: {  	[sflag:s5] =	ssyncadd.s32 $0xFFFFC000  }
0x17b: {  	[tilespmem:s9], [sflag:$0x1] =	stream.indirect.gather [hbm4b:s3+s12], $0x80, s16, s12, $0xb8;
	[tilespmem:$0xC600] =	vst v63  }
0x17c: {  	_ = 	snop  }
0x17d: {  	[tilespmem:s10], [sflag:$0x1] =	stream.indirect.gather [hbm4b:s4+s12], $0x80, s17, s12, $0xb8;
	[tilespmem:$0xC600] =	vst v63  }
0x17e: {  	_ = 	snop  }
0x17f: {  	[tilespmem:s11], [sflag:$0x1] =	stream.indirect.gather [hbm4b:s4+s12], $0x80, s18, s12, $0xb8;
	[tilespmem:$0xC600] =	vst v63  }
0x180: {  	_ =	swait.ge [sflag:s5], $0x4000  }
0x181: {  	[sflag:s5] =	ssyncset.done $0x0  }
0x182: {  	[sflag:s5] =	ssyncadd.s32 $0xFFFFC000  }
0x183: {  	_ =	swait.ge [sflag:s5], $0x4000  }
0x184: {  	[sflag:s5] =	ssyncset.done $0x0  }
0x185: {  	[sflag:s5] =	ssyncadd.s32 $0xFFFFC000  }
0x186: {  	_ =	swait.ge [sflag:s5], $0x4000  }
0x187: {  	[sflag:s5] =	ssyncset.done $0x0  }
0x188: {  	[sflag:s5] =	ssyncadd.s32 $0xFFFFC000  }
0x189: {  	[hbm4b:s6+s2] =	stream.linear.scatter [tilespmem:s9], [sflag:$0x1], $0x4000, $0x38;
	[tilespmem:$0xC600] =	vst v63  }
0x18a: {  	_ = 	snop  }
0x18b: {  	[hbm4b:s7+s2] =	stream.linear.scatter [tilespmem:s10], [sflag:$0x1], $0x4000, $0x38;
	[tilespmem:$0xC600] =	vst v63  }
0x18c: {  	_ = 	snop  }
0x18d: {  	[hbm4b:s8+s2] =	stream.linear.scatter [tilespmem:s11], [sflag:$0x1], $0x4000, $0x38;
	[tilespmem:$0xC600] =	vst v63  }
0x18e: {  	_ =	swait.ge [sflag:s5], $0x4000  }
0x18f: {  	[sflag:s5] =	ssyncset.done $0x0  }
0x190: {  	[sflag:s5] =	ssyncadd.s32 $0xFFFFC000  }
0x191: {  	_ =	swait.ge [sflag:s5], $0x4000  }
0x192: {  	[sflag:s5] =	ssyncset.done $0x0  }
0x193: {  	[sflag:s5] =	ssyncadd.s32 $0xFFFFC000  }
0x194: {  	_ =	swait.ge [sflag:s5], $0x4000  }
0x195: {  	[sflag:s5] =	ssyncset.done $0x0  }
0x196: {  	[sflag:s5] =	ssyncadd.s32 $0xFFFFC000  }
0x197: {  	_ =	sfence.sel $0x180000  }
0x198: {  	[bflag:$0x0] =	sbarrier.arrive $0xFFFF  }
0x199: {  	_ =	strace $0x9000004A  }
0x19a: {  	s31 =	stileid.u32;
	[bflag:$0x2] =	sbarrier.arrive $0xFFFF  }
0x19b: {  	p0 =	sne.s32 s31, $0x0;
	s0 =	rddreg [dreg:$0x4]  }
0x19c: {  	s0 =	sadd.s32 @!p0 $0x100000, s0  }
0x19d: {  	[sflag:s0] =	ssyncadd.tile.s32 @!p0 $0x1;
	_ =	shalt  }
.Lfunc_end2:
_tile_overlayer_lowered:
.L_overlay_start_2:
0x19e: {  	(tag) =	ssettag $0x2  }
0x19f: {  	s0 =	rddreg [dreg:$0x0];
	s2 =	stileid.u32  }
0x1a0: {  	s1 =	rddreg [dreg:$0x1];
	p0 =	sne.s32 s2, $0x0  }
0x1a1: {  	s3 =	rddreg [dreg:$0x2];
	[bflag:$0x3] =	sbarrier.arrive $0xFFFF;
	s2 =	simm.s32 @!p0 $0x1C02  }
0x1a2: {  	[timem:s3], [sflag:s2] =	dma.local @!p0 [hbm:s0], s1  }
0x1a3: {  	s0 =	simm.s32 @!p0 $0x2  }
0x1a4: {  	_ =	swait.ge @!p0 [sflag:s0], s1  }
0x1a5: {  	s1 =	ssub.s32 @!p0 $0x0, s1;
	[sflag:s0] =	ssyncset.done @!p0 $0x0  }
0x1a6: {  	[sflag:s0] =	ssyncadd.s32 @!p0 s1  }
0x1a7: {  	[bflag:$0x3] =	sbarrier.arrive $0xFFFF  }
0x1a8: {  	_ =	shalt  }

// kernel: kernel.7.cloned.1.call-start
scs
__scs_entry_jumppad:
0x0: {  	(pc) =	sbr.rel $0x88, $3  }
0x1: {  	(tag) =	ssettag $0x0;
	lr =	simm.s32 $0x1  }
0x2: {  	[smem:$0x3F95] =	sst lr;
	_ =	strace $0xD0000000  }
0x3: {  	_ = 	snop  }
0x4: {  	_ = 	snop  }
0x5: {  	_ = 	snop  }
0x6: {  	_ = 	snop  }
0x7: {  	_ = 	snop  }
__scs_overlays_trampoline_lowered:
0x8: {  	[smem:$0x3FA4] =	sst s0  }
0x9: {  	[smem:$0x3FA5] =	sst s1  }
0xa: {  	[smem:$0x3FA6] =	sst s2  }
0xb: {  	[smem:$0x3FA7] =	sst s3  }
0xc: {  	[smem:$0x3FA8] =	sst s4  }
0xd: {  	[smem:$0x3FA9] =	sst s5  }
0xe: {  	[smem:$0x3FAA] =	sst s6  }
0xf: {  	[smem:$0x3FAB] =	sst s7  }
0x10: {  	[smem:$0x3FAC] =	sst s8  }
0x11: {  	[smem:$0x3FAD] =	sst s9;
	s0 =	simm.s32 @!p0 $0x0  }
0x12: {  	s1 =	sld [smem:$0x3F93];
	s0 =	simm.s32 @p0 $0x1  }
0x13: {  	[smem:$0x3FAE] =	sst s0;
	s0 =	simm.s32 @!p1 $0x0  }
0x14: {  	s2 =	sld [smem:$0x3F92];
	s0 =	simm.s32 @p1 $0x1  }
0x15: {  	[smem:$0x3FAF] =	sst s0;
	s0 =	simm.s32 @!p2 $0x0  }
0x16: {  	s3 =	sld [smem:$0x3FDB];
	s0 =	simm.s32 @p2 $0x1  }
0x17: {  	s4 =	simm.s32 $0x1BF5;
	[smem:$0x3FB1] =	sst s0  }
0x18: {  	s0 =	sld [smem:$0x3F94];
	_ =	swait.ge [sflag:s4], $0x0  }
0x19: {  	s7 =	sld [smem:$0x3F95]  }
0x1a: {  	s8 =	sadd.s32 $0xFFFFE003, lr  }
0x1b: {  	s9 =	sadd.s32 $0xFFFFFEF7, lr;
	s5 =	simm.s32 $0xFFFFFFFF;
	p2 =	slt.u32 s8, $0xFFFFF086  }
0x1c: {  	p1 =	slt.u32 s9, $0xF7A;
	s5 =	simm.s32 @!p2 $0x0  }
0x1d: {  	s5 =	simm.s32 @p1 $0x1;
	p0 =	seq.s32 s7, s2  }
0x1e: {  	s7 =	smul.u32 @!p0 $0xF7A, s2;
	p2 =	seq.s32 @!p0 s5, $0x0  }
0x1f: {  	s9 =	smul.u32 $0xF7A, s1;
	s8 =	simm.s32 @!p0 $0x1BF5;
	p2 =	por !p2, p0  }
0x20: {  	[sflag:s8] =	ssyncset.s32 @!p0 $0xFFFFF086;
	s6 =	sadd.s32 @!p0 s3, s7;
	s7 =	simm.s32 @!p0 $0x108  }
0x21: {  	s3 =	sadd.s32 s3, s9;
	s6 =	sadd.s32 @!p0 $0x88, s6;
	s7 =	simm.s32 @p2 $0x1082  }
0x22: {  	[simem:s7], [sflag:s8] =	dma.local @!p0 [hbm:s6], $0xF7A  }
0x23: {  	s9 =	sor.u32 $0xD0000000, s2;
	s6 =	simm.s32 $0x108;
	_ =	swait.ge @!p0 [sflag:s8], $0x0  }
0x24: {  	s3 =	sadd.s32 $0x88, s3;
	s6 =	simm.s32 @!p1 $0x1082;
	[sflag:s4] =	ssyncset.s32 $0xFFFFF086  }
0x25: {  	[simem:s6], [sflag:s4] =	dma.local [hbm:s3], $0xF7A  }
0x26: {  	[smem:$0x3F95] =	sst s1;
	(tag) =	ssettag s2;
	_ =	strace s9  }
0x27: {  	s1 =	sld [smem:$0x3FA5]  }
0x28: {  	s2 =	sld [smem:$0x3FA6]  }
0x29: {  	s4 =	sld [smem:$0x3FA8]  }
0x2a: {  	p0 =	seq.s32 s5, $0x0;
	s5 =	sld [smem:$0x3FA9]  }
0x2b: {  	s6 =	sld [smem:$0x3FAA]  }
0x2c: {  	s7 =	sld [smem:$0x3FAB]  }
0x2d: {  	s3 =	simm.s32 $0x108;
	s8 =	sld [smem:$0x3FAC]  }
0x2e: {  	s3 =	simm.s32 @!p0 $0x1082;
	s9 =	sld [smem:$0x3FAD]  }
0x2f: {  	lr =	sadd.s32 s0, s3;
	s0 =	sld [smem:$0x3FA4]  }
0x30: {  	s3 =	sld [smem:$0x3FA7]  }
0x31: {  	[smem:$0x3FB0] =	sst s10  }
0x32: {  	s10 =	sld [smem:$0x3FAE];
	_ =	sdelay $0x3  }
0x33: {  	p0 =	seq.s32 s10, $0x1;
	s10 =	sld [smem:$0x3FB0];
	_ =	sdelay $0x3  }
0x34: {  	[smem:$0x3FB0] =	sst s10  }
0x35: {  	s10 =	sld [smem:$0x3FAF];
	_ =	sdelay $0x3  }
0x36: {  	p1 =	seq.s32 s10, $0x1;
	s10 =	sld [smem:$0x3FB0];
	_ =	sdelay $0x3  }
0x37: {  	[smem:$0x3FB0] =	sst s10  }
0x38: {  	s10 =	sld [smem:$0x3FB1]  }
0x39: {  	_ = 	snop;
	(pc) =	sbr.ind lr, $3  }
0x3a: {  	_ = 	snop  }
0x3b: {  	_ = 	snop  }
0x3c: {  	p2 =	seq.s32 s10, $0x1;
	s10 =	sld [smem:$0x3FB0]  }
0x3d: {  	_ =	shalt  }
0x3e: {  	_ =	shalt  }
0x3f: {  	_ =	shalt  }
0x40: {  	_ =	shalt  }
0x41: {  	_ =	shalt  }
0x42: {  	_ =	shalt  }
0x43: {  	_ =	shalt  }
0x44: {  	_ =	shalt  }
0x45: {  	_ =	shalt  }
0x46: {  	_ =	shalt  }
0x47: {  	_ =	shalt  }
0x48: {  	_ =	shalt  }
0x49: {  	_ =	shalt  }
0x4a: {  	_ =	shalt  }
0x4b: {  	_ =	shalt  }
0x4c: {  	_ =	shalt  }
0x4d: {  	_ =	shalt  }
0x4e: {  	_ =	shalt  }
0x4f: {  	_ =	shalt  }
0x50: {  	_ =	shalt  }
0x51: {  	_ =	shalt  }
0x52: {  	_ =	shalt  }
0x53: {  	_ =	shalt  }
0x54: {  	_ =	shalt  }
0x55: {  	_ =	shalt  }
0x56: {  	_ =	shalt  }
0x57: {  	_ =	shalt  }
0x58: {  	_ =	shalt  }
0x59: {  	_ =	shalt  }
0x5a: {  	_ =	shalt  }
0x5b: {  	_ =	shalt  }
0x5c: {  	_ =	shalt  }
0x5d: {  	_ =	shalt  }
0x5e: {  	_ =	shalt  }
0x5f: {  	_ =	shalt  }
0x60: {  	_ =	shalt  }
0x61: {  	_ =	shalt  }
0x62: {  	_ =	shalt  }
0x63: {  	_ =	shalt  }
0x64: {  	_ =	shalt  }
0x65: {  	_ =	shalt  }
0x66: {  	_ =	shalt  }
0x67: {  	_ =	shalt  }
0x68: {  	_ =	shalt  }
0x69: {  	_ =	shalt  }
0x6a: {  	_ =	shalt  }
0x6b: {  	_ =	shalt  }
0x6c: {  	_ =	shalt  }
0x6d: {  	_ =	shalt  }
0x6e: {  	_ =	shalt  }
0x6f: {  	_ =	shalt  }
0x70: {  	_ =	shalt  }
0x71: {  	_ =	shalt  }
0x72: {  	_ =	shalt  }
0x73: {  	_ =	shalt  }
0x74: {  	_ =	shalt  }
0x75: {  	_ =	shalt  }
0x76: {  	_ =	shalt  }
0x77: {  	_ =	shalt  }
0x78: {  	_ =	shalt  }
0x79: {  	_ =	shalt  }
0x7a: {  	_ =	shalt  }
0x7b: {  	_ =	shalt  }
0x7c: {  	_ =	shalt  }
0x7d: {  	_ =	shalt  }
0x7e: {  	_ =	shalt  }
0x7f: {  	_ =	shalt  }
0x80: {  	_ =	shalt  }
0x81: {  	_ =	shalt  }
0x82: {  	_ =	shalt  }
0x83: {  	_ =	shalt  }
0x84: {  	_ =	shalt  }
0x85: {  	_ =	shalt  }
0x86: {  	_ =	shalt  }
0x87: {  	_ =	shalt  }
.Lfunc_end0:
.L_simem_size_0:
called_computation_lowered:
.L_overlay_start_0:
0x88: {  	s2 =	sld [smem:$0x3FD9]  }
0x89: {  	s3 =	sld [smem:$0x3FFE];
	_ =	sdelay $0x1  }
0x8a: {  	s1 =	srdreg.scid  }
0x8b: {  	s0 =	sand.u32 $0x1, s1  }
0x8c: {  	s17 =	sshll.u32 s0, $0xA;
	s2 =	sadd.s32 s3, s2  }
0x8d: {  	s2 =	sadd.s32 s2, s17  }
0x8e: {  	[smem:$0x3FBC] =	sst s2  }
0x8f: {  	_ = 	snop  }
0x90: {  	s2 =	sld [smem:$0x3FC8]  }
0x91: {  	s18 =	sld [smem:$0x3FC7]  }
0x92: {  	s4 =	sld [smem:$0x3FBF]  }
0x93: {  	s5 =	sld [smem:$0x3FBE];
	(tm) =	ssettm $0x1  }
0x94: {  	s6 =	sld [smem:$0x3FFB];
	_ =	sdelay $0x3  }
0x95: {  	_ =	strace s6  }
0x96: {  	s6 =	sld [smem:$0x3FFC];
	_ =	sdelay $0x3  }
0x97: {  	_ =	strace s6  }
0x98: {  	s6 =	sld [smem:$0x3FFD];
	_ =	sdelay $0x3  }
0x99: {  	_ =	strace s6  }
0x9a: {  	_ =	strace $0x8FFFFFFF  }
0x9b: {  	s19 =	sld [smem:$0x3FDB];
	_ =	sdelay $0x1  }
0x9c: {  	s7 =	simm.s32 $_scs_section_size  }
0x9d: {  	s8 =	simm.s32 $_size__tile_overlayer_lowered;
	s9 =	simm.s32 $_tile_overlayer_lowered  }
0x9e: {  	s22 =	simm.s32 $0x1BFF;
	s21 =	sshll.u32 s9, $0x1;
	s6 =	sadd.s32 s7, s19  }
0x9f: {  	s10 =	simm.s32 $0x0;
	s20 =	sshll.u32 s8, $0x1;
	s8 =	sadd.s32 s21, s6  }
0xa0: {  	[timem:s10], [sflag:s22] =	dma.local [hbm:s8], s20  }
0xa1: {  	_ =	swait.ge [sflag:s22], s20  }
0xa2: {  	s7 =	ssub.s32 $0x0, s20;
	[sflag:s22] =	ssyncset.done $0x0  }
0xa3: {  	[sflag:s22] =	ssyncadd.s32 s7;
	_ =	sdelay $0x1  }
0xa4: {  	s23 =	simm.s32 $0x1B8B  }
0xa5: {  	_ =	swait.ge [sflag:s23], $0x1  }
0xa6: {  	[sflag:s23] =	ssyncset.done $0x0  }
0xa7: {  	s25 =	simm.s32 $0x1B8E;
	s24 =	sld [smem:$0x3FFE];
	[sflag:s23] =	ssyncadd.s32 $0xFFFFFFFF  }
0xa8: {  	s26 =	simm.s32 $execute0_lowered;
	[smem:$0x3FD2] =	sst s25  }
0xa9: {  	s8 =	sshll.u32 s26, $0x1;
	_ =	strace $0x80000046;
	[dreg:$0x1] =	wrdreg $0xFFFFFFFF  }
0xaa: {  	s28 =	simm.s32 $_size_execute0_lowered;
	s6 =	sadd.s32 s6, s8;
	[dreg:$0x0] =	wrdreg $0x0  }
0xab: {  	s8 =	sshll.u32 s28, $0x1;
	[dreg:$0x2] =	wrdreg s6  }
0xac: {  	[dreg:$0x3] =	wrdreg s8  }
0xad: {  	[dreg:$0x4] =	wrdreg $0xC0  }
0xae: {  	_ =	task [dreg:s10], $0x5FFFF  }
0xaf: {  	[dreg:$0x1] =	wrdreg $0xFFFFFFFF  }
0xb0: {  	[dreg:$0x0] =	wrdreg $0x60  }
0xb1: {  	[dreg:$0x2] =	wrdreg s2  }
0xb2: {  	[dreg:$0x3] =	wrdreg s18  }
0xb3: {  	[dreg:$0x4] =	wrdreg s4  }
0xb4: {  	[dreg:$0x5] =	wrdreg s5  }
0xb5: {  	[dreg:$0x6] =	wrdreg s24  }
0xb6: {  	[dreg:$0x7] =	wrdreg $0x9  }
0xb7: {  	_ =	task.clear_ibuf [dreg:s10], $0x8FFFF;
	_ =	strace $0x90000046  }
0xb8: {  	s29 =	simm.s32 $0x9;
	_ =	strace $0x80000048  }
0xb9: {  	_ =	swait.ge [sflag:s29], $0x1  }
0xba: {  	[sflag:s29] =	ssyncadd.s32 $0xFFFFFFFF  }
0xbb: {  	_ =	strace $0x90000048  }
0xbc: {  	_ =	sfence  }
0xbd: {  	s30 =	sld [smem:$0x0];
	_ =	sdelay $0x2  }
0xbe: {  	s31 =	sshll.u32 s1, $0xD;
	s1 =	sshrl.u32 s1, $0x2  }
0xbf: {  	s3 =	sand.u32 $0x4000, s31;
	s1 =	sadd.s32 s1, s30  }
0xc0: {  	s0 =	sor.u32 s3, s0;
	s1 =	sshll.u32 s1, $0x11  }
0xc1: {  	s0 =	sor.u32 s1, s0  }
0xc2: {  	s0 =	sadd.s32 $0x8F2B, s0  }
0xc3: {  	[sflag:s0] =	ssyncadd.remote.s32 $0x1  }
0xc4: {  	_ =	sfence.sel $0xFFFF  }
0xc5: {  	[dreg:$0x0] =	wrdreg $0xFFFFFFFF;
	(pc) =	sbr.abs _section_cstart, $3  }
0xc6: {  	[dreg:$0x1] =	wrdreg $0xFFFFFFFF  }
0xc7: {  	_ =	task.clear_ibuf [dreg:s10], $0x2FFFF;
	_ =	strace $0x9FFFFFFF  }
0xc8: {  	(tm) =	ssettm $0x7FFFFFFF  }
0xc9: {  	_ =	shalt  }
tec
execute0_lowered:
.L_overlay_start_1:
0x0: {  	(tag) =	ssettag $0x1  }
0x1: {  	s0 =	rddreg [dreg:$0x0]  }
0x2: {  	s4 =	rddreg [dreg:$0x1]  }
0x3: {  	s1 =	rddreg [dreg:$0x2]  }
0x4: {  	s2 =	rddreg [dreg:$0x3]  }
0x5: {  	s8 =	rddreg [dreg:$0x4];
	s3 =	simm.s32 $0x0  }
0x6: {  	s6 =	srdreg.scid;
	s7 =	stileid.u32;
	s14 =	simm.s32 $0x1  }
0x7: {  	s15 =	simm.s32 $0x400;
	s12 =	simm.s32 $0xAC00;
	s16 =	simm.s32 $0xB400  }
0x8: {  	s17 =	simm.s32 $0xBC00;
	s18 =	simm.s32 $0xC400;
	s19 =	simm.s32 $0xCC00  }
0x9: {  	s20 =	simm.s32 $0xD400;
	s21 =	simm.s32 $0xDC00;
	s22 =	simm.s32 $0xE400  }
0xa: {  	s23 =	simm.s32 $0xEC00;
	s24 =	simm.s32 $0xF400;
	s25 =	simm.s32 $0xFC00  }
0xb: {  	s26 =	simm.s32 $0x40;
	s28 =	simm.s32 $0x10400;
	s6 =	sand.u32 $0x1, s6  }
0xc: {  	s29 =	simm.s32 $0x10480;
	s7 =	sshll.u32 s7, $0xA;
	s10 =	sshll.u32 s6, $0x9  }
0xd: {  	[smem:$0x7FF] =	sst s3;
	s5 =	sadd.s32 $0x3800, s8;
	s7 =	sor.u32 s10, s7  }
0xe: {  	_ =	strace $0x80000047;
	s9 =	ssub.s32 $0x2, s6;
	s10 =	sshrl.u32 s7, $0x3  }
0xf: {  	s6 =	sadd.s32 $0x2800, s8;
	s11 =	sshrl.u32 s9, $0x1;
	s0 =	sadd.s32 s0, s10  }
0x10: {  	v2 =	vlaneseq.u32;
	s9 =	ssub.s32 s9, s11;
	s30 =	sadd.s32 s4, s10;
	[dreg:$0x6] =	wrdreg s0  }
0x11: {  	vm0 =	vmmov $0xffff;
	v1 =	vshrl.u32 v2, $0x3;
	s8 =	sadd.s32 $0x3000, s8;
	s31 =	smax.u32 s9, $0x1;
	[dreg:$0x7] =	wrdreg s30  }
0x12: {  	v0 =	vand.u32 $0x7, v2;
	v2 =	vor.u32 $0x8, v2;
	v1 =	vmul.u32 $0x8, v1;
	s11 =	sadd.s32 $0x100, s1;
	s4 =	simm.s32 $0x0;
	[dreg:$0x8] =	wrdreg s31  }
.LBB2_1:
0x13: {  	[dreg:$0x9] =	wrdreg s4  }
0x14: {  	s0 =	rddreg [dreg:$0x6]  }
0x15: {  	[tilespmem:s3], [sflag:$0x1] =	stream.linear.gather [hbm4b:s0+s3], $0x200, $0x38;
	[tilespmem:$0x10500] =	vst v63  }
0x16: {  	s13 =	rddreg [dreg:$0x7];
	s31 =	simm.s32 $0x200  }
0x17: {  	[tilespmem:s31], [sflag:$0x1] =	stream.linear.gather [hbm4b:s13+s3], $0x200, $0x38;
	[tilespmem:$0x10500] =	vst v63  }
0x18: {  	_ =	swait.ge [sflag:s14], $0x200  }
0x19: {  	[sflag:s14] =	ssyncset.done $0x0  }
0x1a: {  	[sflag:s14] =	ssyncadd.s32 $0xFFFFFE00  }
0x1b: {  	_ =	swait.ge [sflag:s14], $0x200  }
0x1c: {  	[sflag:s14] =	ssyncset.done $0x0  }
0x1d: {  	s30 =	simm.s32 $0x0;
	[sflag:s14] =	ssyncadd.s32 $0xFFFFFE00  }
.LBB2_2:
0x1e: {  	s31 =	sshll.u32 s30, $0x6  }
0x1f: {  	v3 =	vld [tilespmem:s31+$0x0];
	_ =	sdelay $0x4  }
0x20: {  	v4 =	vshll.u32 v3, $0x2  }
0x21: {  	v3 =	vand.u32 $0x7, v3;
	v4 =	vand.u32 $0xFFFFFFE0, v4  }
0x22: {  	v3 =	vor.u32 v3, v4  }
0x23: {  	v4 =	vperm.xlane v3, v0;
	_ =	sdelay $0x1  }
0x24: {  	v4 =	vadd.s32 v1, v4;
	_ =	sdelay $0x1  }
0x25: {  	v3 =	vperm.xlane v3, v2;
	_ =	sdelay $0x1  }
0x26: {  	s0 =	simm.s32 $0x0;
	v3 =	vadd.s32 v1, v3  }
0x27: {  	[tilespmem:s15], [sflag:$0x1] =	stream.indirect_vreg.gather [hbm4b:s1+s0], $0x80, v4, vm0, $0xb8;
	[tilespmem:$0x10500] =	vst v63  }
0x28: {  	s4 =	simm.s32 $0xC00  }
0x29: {  	[tilespmem:s4], [sflag:$0x1] =	stream.indirect_vreg.gather [hbm4b:s11+s0], $0x80, v4, vm0, $0xb8;
	[tilespmem:$0x10500] =	vst v63  }
0x2a: {  	s9 =	simm.s32 $0x1400  }
0x2b: {  	[tilespmem:s9], [sflag:$0x1] =	stream.indirect_vreg.gather [hbm4b:s1+s0], $0x80, v3, vm0, $0xb8;
	[tilespmem:$0x10500] =	vst v63  }
0x2c: {  	s10 =	simm.s32 $0x1C00  }
0x2d: {  	[tilespmem:s10], [sflag:$0x1] =	stream.indirect_vreg.gather [hbm4b:s11+s0], $0x80, v3, vm0, $0xb8;
	[tilespmem:$0x10500] =	vst v63  }
0x2e: {  	v3 =	vld [tilespmem:s31+$0x10];
	_ =	sdelay $0x4  }
0x2f: {  	v4 =	vshll.u32 v3, $0x2  }
0x30: {  	v3 =	vand.u32 $0x7, v3;
	v4 =	vand.u32 $0xFFFFFFE0, v4  }
0x31: {  	v3 =	vor.u32 v3, v4  }
0x32: {  	v4 =	vperm.xlane v3, v0;
	_ =	sdelay $0x1  }
0x33: {  	v4 =	vadd.s32 v1, v4;
	_ =	sdelay $0x1  }
0x34: {  	v3 =	vperm.xlane v3, v2;
	_ =	sdelay $0x1  }
0x35: {  	s13 =	simm.s32 $0x2400;
	v3 =	vadd.s32 v1, v3  }
0x36: {  	[tilespmem:s13], [sflag:$0x1] =	stream.indirect_vreg.gather [hbm4b:s1+s0], $0x80, v4, vm0, $0xb8;
	[tilespmem:$0x10500] =	vst v63  }
0x37: {  	s9 =	simm.s32 $0x2C00  }
0x38: {  	[tilespmem:s9], [sflag:$0x1] =	stream.indirect_vreg.gather [hbm4b:s11+s0], $0x80, v4, vm0, $0xb8;
	[tilespmem:$0x10500] =	vst v63  }
0x39: {  	s10 =	simm.s32 $0x3400  }
0x3a: {  	[tilespmem:s10], [sflag:$0x1] =	stream.indirect_vreg.gather [hbm4b:s1+s0], $0x80, v3, vm0, $0xb8;
	[tilespmem:$0x10500] =	vst v63  }
0x3b: {  	s13 =	simm.s32 $0x3C00  }
0x3c: {  	[tilespmem:s13], [sflag:$0x1] =	stream.indirect_vreg.gather [hbm4b:s11+s0], $0x80, v3, vm0, $0xb8;
	[tilespmem:$0x10500] =	vst v63  }
0x3d: {  	v3 =	vld [tilespmem:s31+$0x20];
	_ =	sdelay $0x4  }
0x3e: {  	v4 =	vshll.u32 v3, $0x2  }
0x3f: {  	v3 =	vand.u32 $0x7, v3;
	v4 =	vand.u32 $0xFFFFFFE0, v4  }
0x40: {  	v3 =	vor.u32 v3, v4  }
0x41: {  	v4 =	vperm.xlane v3, v0;
	_ =	sdelay $0x1  }
0x42: {  	v4 =	vadd.s32 v1, v4;
	_ =	sdelay $0x1  }
0x43: {  	v3 =	vperm.xlane v3, v2;
	_ =	sdelay $0x1  }
0x44: {  	s9 =	simm.s32 $0x4400;
	v3 =	vadd.s32 v1, v3  }
0x45: {  	[tilespmem:s9], [sflag:$0x1] =	stream.indirect_vreg.gather [hbm4b:s1+s0], $0x80, v4, vm0, $0xb8;
	[tilespmem:$0x10500] =	vst v63  }
0x46: {  	s10 =	simm.s32 $0x4C00  }
0x47: {  	[tilespmem:s10], [sflag:$0x1] =	stream.indirect_vreg.gather [hbm4b:s11+s0], $0x80, v4, vm0, $0xb8;
	[tilespmem:$0x10500] =	vst v63  }
0x48: {  	s13 =	simm.s32 $0x5400  }
0x49: {  	[tilespmem:s13], [sflag:$0x1] =	stream.indirect_vreg.gather [hbm4b:s1+s0], $0x80, v3, vm0, $0xb8;
	[tilespmem:$0x10500] =	vst v63  }
0x4a: {  	s9 =	simm.s32 $0x5C00  }
0x4b: {  	[tilespmem:s9], [sflag:$0x1] =	stream.indirect_vreg.gather [hbm4b:s11+s0], $0x80, v3, vm0, $0xb8;
	[tilespmem:$0x10500] =	vst v63  }
0x4c: {  	v3 =	vld [tilespmem:s31+$0x30];
	_ =	sdelay $0x4  }
0x4d: {  	v4 =	vshll.u32 v3, $0x2  }
0x4e: {  	v3 =	vand.u32 $0x7, v3;
	v4 =	vand.u32 $0xFFFFFFE0, v4  }
0x4f: {  	v3 =	vor.u32 v3, v4  }
0x50: {  	v4 =	vperm.xlane v3, v0;
	_ =	sdelay $0x1  }
0x51: {  	v4 =	vadd.s32 v1, v4;
	_ =	sdelay $0x1  }
0x52: {  	v3 =	vperm.xlane v3, v2;
	_ =	sdelay $0x1  }
0x53: {  	s10 =	simm.s32 $0x6400;
	v3 =	vadd.s32 v1, v3  }
0x54: {  	[tilespmem:s10], [sflag:$0x1] =	stream.indirect_vreg.gather [hbm4b:s1+s0], $0x80, v4, vm0, $0xb8;
	[tilespmem:$0x10500] =	vst v63  }
0x55: {  	s13 =	simm.s32 $0x6C00  }
0x56: {  	[tilespmem:s13], [sflag:$0x1] =	stream.indirect_vreg.gather [hbm4b:s11+s0], $0x80, v4, vm0, $0xb8;
	[tilespmem:$0x10500] =	vst v63  }
0x57: {  	s9 =	simm.s32 $0x7400  }
0x58: {  	[tilespmem:s9], [sflag:$0x1] =	stream.indirect_vreg.gather [hbm4b:s1+s0], $0x80, v3, vm0, $0xb8;
	[tilespmem:$0x10500] =	vst v63  }
0x59: {  	s10 =	simm.s32 $0x7C00  }
0x5a: {  	[tilespmem:s10], [sflag:$0x1] =	stream.indirect_vreg.gather [hbm4b:s11+s0], $0x80, v3, vm0, $0xb8;
	[tilespmem:$0x10500] =	vst v63  }
0x5b: {  	v3 =	vld [tilespmem:s31+$0x200];
	_ =	sdelay $0x4  }
0x5c: {  	v4 =	vshll.u32 v3, $0x2  }
0x5d: {  	v3 =	vand.u32 $0x7, v3;
	v4 =	vand.u32 $0xFFFFFFE0, v4  }
0x5e: {  	v3 =	vor.u32 v3, v4  }
0x5f: {  	v4 =	vperm.xlane v3, v0;
	_ =	sdelay $0x1  }
0x60: {  	v4 =	vadd.s32 v1, v4;
	_ =	sdelay $0x1  }
0x61: {  	v3 =	vperm.xlane v3, v2;
	_ =	sdelay $0x1  }
0x62: {  	s13 =	simm.s32 $0x8400;
	v3 =	vadd.s32 v1, v3  }
0x63: {  	[tilespmem:s13], [sflag:$0x1] =	stream.indirect_vreg.gather [hbm4b:s1+s0], $0x80, v4, vm0, $0xb8;
	[tilespmem:$0x10500] =	vst v63  }
0x64: {  	s9 =	simm.s32 $0x8C00  }
0x65: {  	[tilespmem:s9], [sflag:$0x1] =	stream.indirect_vreg.gather [hbm4b:s11+s0], $0x80, v4, vm0, $0xb8;
	[tilespmem:$0x10500] =	vst v63  }
0x66: {  	s10 =	simm.s32 $0x9400  }
0x67: {  	[tilespmem:s10], [sflag:$0x1] =	stream.indirect_vreg.gather [hbm4b:s1+s0], $0x80, v3, vm0, $0xb8;
	[tilespmem:$0x10500] =	vst v63  }
0x68: {  	s13 =	simm.s32 $0x9C00  }
0x69: {  	[tilespmem:s13], [sflag:$0x1] =	stream.indirect_vreg.gather [hbm4b:s11+s0], $0x80, v3, vm0, $0xb8;
	[tilespmem:$0x10500] =	vst v63  }
0x6a: {  	v3 =	vld [tilespmem:s31+$0x210];
	_ =	sdelay $0x4  }
0x6b: {  	v4 =	vshll.u32 v3, $0x2  }
0x6c: {  	v3 =	vand.u32 $0x7, v3;
	v4 =	vand.u32 $0xFFFFFFE0, v4  }
0x6d: {  	v3 =	vor.u32 v3, v4  }
0x6e: {  	v4 =	vperm.xlane v3, v0;
	_ =	sdelay $0x1  }
0x6f: {  	v4 =	vadd.s32 v1, v4;
	_ =	sdelay $0x1  }
0x70: {  	v3 =	vperm.xlane v3, v2;
	_ =	sdelay $0x1  }
0x71: {  	s9 =	simm.s32 $0xA400;
	v3 =	vadd.s32 v1, v3  }
0x72: {  	[tilespmem:s9], [sflag:$0x1] =	stream.indirect_vreg.gather [hbm4b:s1+s0], $0x80, v4, vm0, $0xb8;
	[tilespmem:$0x10500] =	vst v63  }
0x73: {  	_ = 	snop  }
0x74: {  	[tilespmem:s12], [sflag:$0x1] =	stream.indirect_vreg.gather [hbm4b:s11+s0], $0x80, v4, vm0, $0xb8;
	[tilespmem:$0x10500] =	vst v63  }
0x75: {  	_ = 	snop  }
0x76: {  	[tilespmem:s16], [sflag:$0x1] =	stream.indirect_vreg.gather [hbm4b:s1+s0], $0x80, v3, vm0, $0xb8;
	[tilespmem:$0x10500] =	vst v63  }
0x77: {  	_ = 	snop  }
0x78: {  	[tilespmem:s17], [sflag:$0x1] =	stream.indirect_vreg.gather [hbm4b:s11+s0], $0x80, v3, vm0, $0xb8;
	[tilespmem:$0x10500] =	vst v63  }
0x79: {  	v3 =	vld [tilespmem:s31+$0x220];
	_ =	sdelay $0x4  }
0x7a: {  	v4 =	vshll.u32 v3, $0x2  }
0x7b: {  	v3 =	vand.u32 $0x7, v3;
	v4 =	vand.u32 $0xFFFFFFE0, v4  }
0x7c: {  	v3 =	vor.u32 v3, v4  }
0x7d: {  	v4 =	vperm.xlane v3, v0;
	_ =	sdelay $0x1  }
0x7e: {  	v4 =	vadd.s32 v1, v4;
	_ =	sdelay $0x1  }
0x7f: {  	v3 =	vperm.xlane v3, v2;
	_ =	sdelay $0x1  }
0x80: {  	v3 =	vadd.s32 v1, v3  }
0x81: {  	[tilespmem:s18], [sflag:$0x1] =	stream.indirect_vreg.gather [hbm4b:s1+s0], $0x80, v4, vm0, $0xb8;
	[tilespmem:$0x10500] =	vst v63  }
0x82: {  	_ = 	snop  }
0x83: {  	[tilespmem:s19], [sflag:$0x1] =	stream.indirect_vreg.gather [hbm4b:s11+s0], $0x80, v4, vm0, $0xb8;
	[tilespmem:$0x10500] =	vst v63  }
0x84: {  	_ = 	snop  }
0x85: {  	[tilespmem:s20], [sflag:$0x1] =	stream.indirect_vreg.gather [hbm4b:s1+s0], $0x80, v3, vm0, $0xb8;
	[tilespmem:$0x10500] =	vst v63  }
0x86: {  	_ = 	snop  }
0x87: {  	[tilespmem:s21], [sflag:$0x1] =	stream.indirect_vreg.gather [hbm4b:s11+s0], $0x80, v3, vm0, $0xb8;
	[tilespmem:$0x10500] =	vst v63  }
0x88: {  	v3 =	vld [tilespmem:s31+$0x230];
	_ =	sdelay $0x4  }
0x89: {  	v4 =	vshll.u32 v3, $0x2  }
0x8a: {  	v3 =	vand.u32 $0x7, v3;
	v4 =	vand.u32 $0xFFFFFFE0, v4  }
0x8b: {  	v3 =	vor.u32 v3, v4  }
0x8c: {  	v4 =	vperm.xlane v3, v0;
	_ =	sdelay $0x1  }
0x8d: {  	v4 =	vadd.s32 v1, v4;
	_ =	sdelay $0x1  }
0x8e: {  	v3 =	vperm.xlane v3, v2;
	_ =	sdelay $0x1  }
0x8f: {  	v3 =	vadd.s32 v1, v3  }
0x90: {  	[tilespmem:s22], [sflag:$0x1] =	stream.indirect_vreg.gather [hbm4b:s1+s0], $0x80, v4, vm0, $0xb8;
	[tilespmem:$0x10500] =	vst v63  }
0x91: {  	_ = 	snop  }
0x92: {  	[tilespmem:s23], [sflag:$0x1] =	stream.indirect_vreg.gather [hbm4b:s11+s0], $0x80, v4, vm0, $0xb8;
	[tilespmem:$0x10500] =	vst v63  }
0x93: {  	_ = 	snop  }
0x94: {  	[tilespmem:s24], [sflag:$0x1] =	stream.indirect_vreg.gather [hbm4b:s1+s0], $0x80, v3, vm0, $0xb8;
	[tilespmem:$0x10500] =	vst v63  }
0x95: {  	_ = 	snop  }
0x96: {  	[tilespmem:s25], [sflag:$0x1] =	stream.indirect_vreg.gather [hbm4b:s11+s0], $0x80, v3, vm0, $0xb8;
	[tilespmem:$0x10500] =	vst v63  }
0x97: {  	_ = 	snop  }
0x98: {  	[tilespmem:s28], [sflag:$0x1] =	stream.indirect.gather [hbm4b:s2+s26], $0x1, s31, s26, $0xb8;
	[tilespmem:$0x10500] =	vst v63  }
0x99: {  	s10 =	sadd.s32 $0x200, s31  }
0x9a: {  	[tilespmem:s29], [sflag:$0x1] =	stream.indirect.gather [hbm4b:s2+s26], $0x1, s10, s26, $0xb8;
	[tilespmem:$0x10500] =	vst v63  }
0x9b: {  	_ =	swait.ge [sflag:s14], $0x8000  }
0x9c: {  	[sflag:s14] =	ssyncset.done $0x0  }
0x9d: {  	[sflag:s14] =	ssyncadd.s32 $0xFFFF8000  }
0x9e: {  	_ =	swait.ge [sflag:s14], $0x8000  }
0x9f: {  	[sflag:s14] =	ssyncset.done $0x0  }
0xa0: {  	[sflag:s14] =	ssyncadd.s32 $0xFFFF8000  }
0xa1: {  	_ =	swait.ge [sflag:s14], $0x40  }
0xa2: {  	[sflag:s14] =	ssyncset.done $0x0  }
0xa3: {  	[sflag:s14] =	ssyncadd.s32 $0xFFFFFFC0  }
0xa4: {  	_ =	swait.ge [sflag:s14], $0x40  }
0xa5: {  	s13 =	sand.u32 $0x7000, s0;
	s0 =	sand.u32 $0x380, s0;
	[sflag:s14] =	ssyncset.done $0x0  }
0xa6: {  	s0 =	sor.u32 s0, s13;
	[sflag:s14] =	ssyncadd.s32 $0xFFFFFFC0  }
0xa7: {  	v10 =	vld [tilespmem:s0+$0x8400]  }
0xa8: {  	v11 =	vld [tilespmem:s0+$0x8410]  }
0xa9: {  	v12 =	vld [tilespmem:s0+$0x8420]  }
0xaa: {  	v13 =	vld [tilespmem:s0+$0x8430]  }
0xab: {  	v14 =	vld [tilespmem:s0+$0x8440]  }
0xac: {  	v15 =	vld [tilespmem:s0+$0x8450]  }
0xad: {  	v16 =	vld [tilespmem:s0+$0x8460]  }
0xae: {  	v17 =	vld [tilespmem:s0+$0x8470]  }
0xaf: {  	v18 =	vld [tilespmem:s0+$0x8800]  }
0xb0: {  	v19 =	vld [tilespmem:s0+$0x8810]  }
0xb1: {  	v20 =	vld [tilespmem:s0+$0x8820]  }
0xb2: {  	v21 =	vld [tilespmem:s0+$0x8830]  }
0xb3: {  	v22 =	vld [tilespmem:s0+$0x8840]  }
0xb4: {  	v23 =	vld [tilespmem:s0+$0x8850]  }
0xb5: {  	v24 =	vld [tilespmem:s0+$0x8860]  }
0xb6: {  	v25 =	vld [tilespmem:s0+$0x8870]  }
0xb7: {  	v26 =	vld [tilespmem:s0+$0x8C00]  }
0xb8: {  	v27 =	vld [tilespmem:s0+$0x8C10]  }
0xb9: {  	v28 =	vld [tilespmem:s0+$0x8C20]  }
0xba: {  	v29 =	vld [tilespmem:s0+$0x8C30]  }
0xbb: {  	v30 =	vld [tilespmem:s0+$0x8C40]  }
0xbc: {  	v31 =	vld [tilespmem:s0+$0x8C50]  }
0xbd: {  	v32 =	vld [tilespmem:s0+$0x8C60]  }
0xbe: {  	v33 =	vld [tilespmem:s0+$0x8C70]  }
0xbf: {  	v34 =	vld [tilespmem:s0+$0x9000]  }
0xc0: {  	v9 =	vld [tilespmem:s0+$0x9010]  }
0xc1: {  	v8 =	vld [tilespmem:s0+$0x9020]  }
0xc2: {  	v7 =	vld [tilespmem:s0+$0x9030]  }
0xc3: {  	v6 =	vld [tilespmem:s0+$0x9040]  }
0xc4: {  	v5 =	vld [tilespmem:s0+$0x9050]  }
0xc5: {  	v4 =	vld [tilespmem:s0+$0x9060]  }
0xc6: {  	v3 =	vld [tilespmem:s0+$0x9070]  }
0xc7: {  	v35 =	vld [tilespmem:s0+$0x400]  }
0xc8: {  	v36 =	vld [tilespmem:s0+$0x410]  }
0xc9: {  	v37 =	vld [tilespmem:s0+$0x420]  }
0xca: {  	v38 =	vld [tilespmem:s0+$0x430]  }
0xcb: {  	v39 =	vld [tilespmem:s0+$0x440]  }
0xcc: {  	v62 =	vld [tilespmem:s0+$0x450];
	v10 =	vsub.f32 v35, v10  }
0xcd: {  	v63 =	vld [tilespmem:s0+$0x460];
	v11 =	vsub.f32 v36, v11  }
0xce: {  	[tilespmem:s0+$0x400] =	vst v10;
	v10 =	vsub.f32 v37, v12;
	v12 =	vld [tilespmem:s0+$0x470]  }
0xcf: {  	[tilespmem:s0+$0x410] =	vst v11;
	v11 =	vsub.f32 v38, v13;
	v13 =	vld [tilespmem:s0+$0x800]  }
0xd0: {  	[tilespmem:s0+$0x420] =	vst v10;
	v10 =	vsub.f32 v39, v14;
	v14 =	vld [tilespmem:s0+$0x810]  }
0xd1: {  	[tilespmem:s0+$0x430] =	vst v11;
	v11 =	vsub.f32 v62, v15;
	v15 =	vld [tilespmem:s0+$0x820]  }
0xd2: {  	[tilespmem:s0+$0x440] =	vst v10;
	v10 =	vsub.f32 v63, v16;
	v16 =	vld [tilespmem:s0+$0x830]  }
0xd3: {  	[tilespmem:s0+$0x450] =	vst v11;
	v11 =	vsub.f32 v12, v17;
	v12 =	vld [tilespmem:s0+$0x840]  }
0xd4: {  	[tilespmem:s0+$0x460] =	vst v10;
	v10 =	vsub.f32 v13, v18;
	v13 =	vld [tilespmem:s0+$0x850]  }
0xd5: {  	[tilespmem:s0+$0x470] =	vst v11;
	v11 =	vsub.f32 v14, v19;
	v14 =	vld [tilespmem:s0+$0x860]  }
0xd6: {  	[tilespmem:s0+$0x800] =	vst v10;
	v10 =	vsub.f32 v15, v20;
	v15 =	vld [tilespmem:s0+$0x870]  }
0xd7: {  	[tilespmem:s0+$0x810] =	vst v11;
	v11 =	vsub.f32 v16, v21;
	v16 =	vld [tilespmem:s0+$0xC00]  }
0xd8: {  	[tilespmem:s0+$0x820] =	vst v10;
	v10 =	vsub.f32 v12, v22;
	v12 =	vld [tilespmem:s0+$0xC10]  }
0xd9: {  	[tilespmem:s0+$0x830] =	vst v11;
	v11 =	vsub.f32 v13, v23;
	v13 =	vld [tilespmem:s0+$0xC20]  }
0xda: {  	[tilespmem:s0+$0x840] =	vst v10;
	v10 =	vsub.f32 v14, v24;
	v14 =	vld [tilespmem:s0+$0xC30]  }
0xdb: {  	[tilespmem:s0+$0x850] =	vst v11;
	v11 =	vsub.f32 v15, v25;
	v15 =	vld [tilespmem:s0+$0xC40]  }
0xdc: {  	[tilespmem:s0+$0x860] =	vst v10;
	v10 =	vsub.f32 v16, v26;
	v16 =	vld [tilespmem:s0+$0xC50]  }
0xdd: {  	v17 =	vld [tilespmem:s0+$0xC60];
	[tilespmem:s0+$0x870] =	vst v11;
	v11 =	vsub.f32 v12, v27  }
0xde: {  	v18 =	vld [tilespmem:s0+$0xC70];
	[tilespmem:s0+$0xC00] =	vst v10;
	v10 =	vsub.f32 v13, v28  }
0xdf: {  	[tilespmem:s0+$0xC10] =	vst v11;
	v11 =	vsub.f32 v14, v29;
	v14 =	vld [tilespmem:s0+$0x1000]  }
0xe0: {  	v13 =	vld [tilespmem:s0+$0x1010];
	[tilespmem:s0+$0xC20] =	vst v10;
	v10 =	vsub.f32 v15, v30  }
0xe1: {  	v12 =	vld [tilespmem:s0+$0x1020];
	[tilespmem:s0+$0xC30] =	vst v11;
	v11 =	vsub.f32 v16, v31  }
0xe2: {  	v15 =	vsub.f32 v17, v32;
	[tilespmem:s0+$0xC40] =	vst v10;
	v10 =	vld [tilespmem:s0+$0x1030]  }
0xe3: {  	v16 =	vsub.f32 v18, v33;
	[tilespmem:s0+$0xC50] =	vst v11;
	v11 =	vld [tilespmem:s0+$0x1040]  }
0xe4: {  	s4 =	simm.s32 $0x80;
	s13 =	simm.s32 $0x200;
	[tilespmem:s0+$0xC60] =	vst v15;
	v15 =	vsub.f32 v14, v34;
	v14 =	vld [tilespmem:s0+$0x1050]  }
.LBB2_3:
0xe5: {  	s9 =	sand.u32 $0x7000, s13;
	s10 =	sand.u32 $0x380, s4;
	p0 =	sne.s32 s13, $0x7E00;
	[tilespmem:s0+$0xC70] =	vst v16;
	v9 =	vsub.f32 v13, v9;
	v13 =	vld [tilespmem:s0+$0x1060]  }
0xe6: {  	s9 =	sor.u32 s10, s9;
	[tilespmem:s0+$0x1000] =	vst v15;
	v8 =	vsub.f32 v12, v8;
	v12 =	vld [tilespmem:s0+$0x1070]  }
0xe7: {  	v15 =	vld [tilespmem:s9+$0x8400];
	[tilespmem:s0+$0x1010] =	vst v9;
	v7 =	vsub.f32 v10, v7  }
0xe8: {  	v10 =	vld [tilespmem:s9+$0x8410];
	[tilespmem:s0+$0x1020] =	vst v8;
	v6 =	vsub.f32 v11, v6  }
0xe9: {  	v11 =	vld [tilespmem:s9+$0x8420];
	[tilespmem:s0+$0x1030] =	vst v7;
	v5 =	vsub.f32 v14, v5  }
0xea: {  	v14 =	vld [tilespmem:s9+$0x8430];
	[tilespmem:s0+$0x1040] =	vst v6;
	v4 =	vsub.f32 v13, v4  }
0xeb: {  	v13 =	vld [tilespmem:s9+$0x8440];
	[tilespmem:s0+$0x1050] =	vst v5;
	v3 =	vsub.f32 v12, v3  }
0xec: {  	v12 =	vld [tilespmem:s9+$0x8450];
	[tilespmem:s0+$0x1060] =	vst v4  }
0xed: {  	v16 =	vld [tilespmem:s9+$0x8460];
	[tilespmem:s0+$0x1070] =	vst v3;
	s0 =	smov.u32 s9  }
0xee: {  	v17 =	vld [tilespmem:s0+$0x8470]  }
0xef: {  	v18 =	vld [tilespmem:s0+$0x8800]  }
0xf0: {  	v19 =	vld [tilespmem:s0+$0x8810]  }
0xf1: {  	v20 =	vld [tilespmem:s0+$0x8820]  }
0xf2: {  	v21 =	vld [tilespmem:s0+$0x8830]  }
0xf3: {  	v22 =	vld [tilespmem:s0+$0x8840]  }
0xf4: {  	v23 =	vld [tilespmem:s0+$0x8850]  }
0xf5: {  	v24 =	vld [tilespmem:s0+$0x8860]  }
0xf6: {  	v25 =	vld [tilespmem:s0+$0x8870]  }
0xf7: {  	v26 =	vld [tilespmem:s0+$0x8C00]  }
0xf8: {  	v27 =	vld [tilespmem:s0+$0x8C10]  }
0xf9: {  	v28 =	vld [tilespmem:s0+$0x8C20]  }
0xfa: {  	v29 =	vld [tilespmem:s0+$0x8C30]  }
0xfb: {  	v30 =	vld [tilespmem:s0+$0x8C40]  }
0xfc: {  	v31 =	vld [tilespmem:s0+$0x8C50]  }
0xfd: {  	v32 =	vld [tilespmem:s0+$0x8C60]  }
0xfe: {  	v33 =	vld [tilespmem:s0+$0x8C70]  }
0xff: {  	v34 =	vld [tilespmem:s0+$0x9000]  }
0x100: {  	v9 =	vld [tilespmem:s0+$0x9010]  }
0x101: {  	v8 =	vld [tilespmem:s0+$0x9020]  }
0x102: {  	v7 =	vld [tilespmem:s0+$0x9030]  }
0x103: {  	v6 =	vld [tilespmem:s0+$0x9040]  }
0x104: {  	v5 =	vld [tilespmem:s0+$0x9050]  }
0x105: {  	v4 =	vld [tilespmem:s0+$0x9060]  }
0x106: {  	v3 =	vld [tilespmem:s0+$0x9070]  }
0x107: {  	v35 =	vld [tilespmem:s0+$0x400]  }
0x108: {  	v36 =	vld [tilespmem:s0+$0x410]  }
0x109: {  	v37 =	vld [tilespmem:s0+$0x420]  }
0x10a: {  	v38 =	vld [tilespmem:s0+$0x430]  }
0x10b: {  	v39 =	vld [tilespmem:s0+$0x440]  }
0x10c: {  	v15 =	vsub.f32 v35, v15;
	v35 =	vld [tilespmem:s0+$0x450]  }
0x10d: {  	v10 =	vsub.f32 v36, v10;
	v36 =	vld [tilespmem:s0+$0x460]  }
0x10e: {  	[tilespmem:s0+$0x400] =	vst v15;
	v11 =	vsub.f32 v37, v11;
	v15 =	vld [tilespmem:s0+$0x470]  }
0x10f: {  	[tilespmem:s0+$0x410] =	vst v10;
	v10 =	vsub.f32 v38, v14;
	v14 =	vld [tilespmem:s0+$0x800]  }
0x110: {  	[tilespmem:s0+$0x420] =	vst v11;
	v11 =	vsub.f32 v39, v13;
	v13 =	vld [tilespmem:s0+$0x810]  }
0x111: {  	[tilespmem:s0+$0x430] =	vst v10;
	v10 =	vsub.f32 v35, v12;
	v12 =	vld [tilespmem:s0+$0x820]  }
0x112: {  	[tilespmem:s0+$0x440] =	vst v11;
	v11 =	vsub.f32 v36, v16;
	v16 =	vld [tilespmem:s0+$0x830]  }
0x113: {  	[tilespmem:s0+$0x450] =	vst v10;
	v10 =	vsub.f32 v15, v17;
	v15 =	vld [tilespmem:s0+$0x840]  }
0x114: {  	[tilespmem:s0+$0x460] =	vst v11;
	v11 =	vsub.f32 v14, v18;
	v14 =	vld [tilespmem:s0+$0x850]  }
0x115: {  	[tilespmem:s0+$0x470] =	vst v10;
	v10 =	vsub.f32 v13, v19;
	v13 =	vld [tilespmem:s0+$0x860]  }
0x116: {  	[tilespmem:s0+$0x800] =	vst v11;
	v11 =	vsub.f32 v12, v20;
	v12 =	vld [tilespmem:s0+$0x870]  }
0x117: {  	[tilespmem:s0+$0x810] =	vst v10;
	v10 =	vsub.f32 v16, v21;
	v16 =	vld [tilespmem:s0+$0xC00]  }
0x118: {  	[tilespmem:s0+$0x820] =	vst v11;
	v11 =	vsub.f32 v15, v22;
	v15 =	vld [tilespmem:s0+$0xC10]  }
0x119: {  	[tilespmem:s0+$0x830] =	vst v10;
	v10 =	vsub.f32 v14, v23;
	v14 =	vld [tilespmem:s0+$0xC20]  }
0x11a: {  	[tilespmem:s0+$0x840] =	vst v11;
	v11 =	vsub.f32 v13, v24;
	v13 =	vld [tilespmem:s0+$0xC30]  }
0x11b: {  	[tilespmem:s0+$0x850] =	vst v10;
	v10 =	vsub.f32 v12, v25;
	v12 =	vld [tilespmem:s0+$0xC40]  }
0x11c: {  	[tilespmem:s0+$0x860] =	vst v11;
	v11 =	vsub.f32 v16, v26;
	v16 =	vld [tilespmem:s0+$0xC50]  }
0x11d: {  	[tilespmem:s0+$0x870] =	vst v10;
	v10 =	vsub.f32 v15, v27;
	v15 =	vld [tilespmem:s0+$0xC60]  }
0x11e: {  	[tilespmem:s0+$0xC00] =	vst v11;
	v11 =	vsub.f32 v14, v28;
	v14 =	vld [tilespmem:s0+$0xC70]  }
0x11f: {  	[tilespmem:s0+$0xC10] =	vst v10;
	v10 =	vsub.f32 v13, v29;
	v17 =	vld [tilespmem:s0+$0x1000]  }
.Ltmp0:
0x120: {  	[tilespmem:s0+$0xC20] =	vst v11;
	v11 =	vsub.f32 v12, v30;
	v13 =	vld [tilespmem:s0+$0x1010];
	(pc) =	sbr.rel @p0 .LBB2_3-.Ltmp0, $4  }
0x121: {  	[tilespmem:s0+$0xC30] =	vst v10;
	v16 =	vsub.f32 v16, v31;
	v12 =	vld [tilespmem:s0+$0x1020]  }
0x122: {  	[tilespmem:s0+$0xC40] =	vst v11;
	v15 =	vsub.f32 v15, v32;
	v10 =	vld [tilespmem:s0+$0x1030]  }
0x123: {  	[tilespmem:s0+$0xC50] =	vst v16;
	v16 =	vsub.f32 v14, v33;
	v11 =	vld [tilespmem:s0+$0x1040]  }
0x124: {  	s4 =	sadd.s32 $0x80, s4;
	s13 =	sadd.s32 $0x200, s13;
	[tilespmem:s0+$0xC60] =	vst v15;
	v15 =	vsub.f32 v17, v34;
	v14 =	vld [tilespmem:s0+$0x1050]  }
0x125: {  	[tilespmem:s0+$0xC70] =	vst v16;
	v9 =	vsub.f32 v13, v9;
	v62 =	vld [tilespmem:s0+$0x1060]  }
0x126: {  	v63 =	vld [tilespmem:s0+$0x1070];
	[tilespmem:s0+$0x1000] =	vst v15;
	v8 =	vsub.f32 v12, v8  }
0x127: {  	[tilespmem:s0+$0x1010] =	vst v9;
	v7 =	vsub.f32 v10, v7  }
0x128: {  	[tilespmem:s0+$0x1020] =	vst v8;
	v6 =	vsub.f32 v11, v6  }
0x129: {  	[tilespmem:s0+$0x1030] =	vst v7;
	v5 =	vsub.f32 v14, v5  }
0x12a: {  	[tilespmem:s0+$0x1040] =	vst v6;
	v4 =	vsub.f32 v62, v4  }
0x12b: {  	s4 =	sor.u32 s7, s31;
	v3 =	vsub.f32 v63, v3;
	[tilespmem:s0+$0x1050] =	vst v5  }
0x12c: {  	s9 =	sshll.u32 s4, $0x6;
	[tilespmem:s0+$0x1060] =	vst v4  }
0x12d: {  	s31 =	sshrl.u32 s4, $0x3;
	s13 =	sadd.s32 s5, s9;
	[tilespmem:s0+$0x1070] =	vst v3  }
0x12e: {  	[hbm4b:s13+s3] =	stream.linear.scatter [tilespmem:s15], [sflag:$0x1], $0x8000, $0x38;
	[tilespmem:$0x10500] =	vst v63  }
0x12f: {  	s4 =	sadd.s32 s6, s31  }
0x130: {  	[hbm4b:s4+s3] =	stream.linear.scatter [tilespmem:s28], [sflag:$0x1], $0x40, $0x38;
	[tilespmem:$0x10500] =	vst v63  }
0x131: {  	s0 =	sadd.s32 s8, s31  }
0x132: {  	[hbm4b:s0+s3] =	stream.linear.scatter [tilespmem:s29], [sflag:$0x1], $0x40, $0x38;
	[tilespmem:$0x10500] =	vst v63  }
0x133: {  	_ =	swait.ge [sflag:s14], $0x8000  }
0x134: {  	[sflag:s14] =	ssyncset.done $0x0  }
0x135: {  	s30 =	sadd.s32 $0x1, s30;
	[sflag:s14] =	ssyncadd.s32 $0xFFFF8000  }
0x136: {  	p0 =	sne.s32 s30, $0x8;
	_ =	swait.ge [sflag:s14], $0x40  }
.Ltmp1:
0x137: {  	[sflag:s14] =	ssyncset.done $0x0;
	(pc) =	sbr.rel @p0 .LBB2_2-.Ltmp1, $4  }
0x138: {  	[sflag:s14] =	ssyncadd.s32 $0xFFFFFFC0  }
0x139: {  	_ =	swait.ge [sflag:s14], $0x40  }
0x13a: {  	[sflag:s14] =	ssyncset.done $0x0  }
0x13b: {  	[sflag:s14] =	ssyncadd.s32 $0xFFFFFFC0  }
0x13c: {  	s4 =	rddreg [dreg:$0x9]  }
0x13d: {  	s0 =	rddreg [dreg:$0x8];
	s4 =	sadd.s32 $0x1, s4  }
0x13e: {  	p0 =	sne.s32 s4, s0  }
.Ltmp2:
0x13f: {  	_ = 	snop;
	(pc) =	sbr.rel @p0 .LBB2_1-.Ltmp2, $1  }
0x140: {  	_ =	sdelay $0x3  }
0x141: {  	_ =	sfence.sel $0x180000  }
0x142: {  	[bflag:$0x0] =	sbarrier.arrive $0xFFFF  }
0x143: {  	_ =	strace $0x90000047  }
0x144: {  	s0 =	stileid.u32;
	[bflag:$0x2] =	sbarrier.arrive $0xFFFF  }
0x145: {  	p0 =	sne.s32 s0, $0x0;
	s0 =	rddreg [dreg:$0x5]  }
0x146: {  	s0 =	sadd.s32 @!p0 $0x100000, s0  }
0x147: {  	[sflag:s0] =	ssyncadd.tile.s32 @!p0 $0x1;
	_ =	shalt  }
.Lfunc_end2:
_tile_overlayer_lowered:
.L_overlay_start_2:
0x148: {  	(tag) =	ssettag $0x2  }
0x149: {  	s0 =	rddreg [dreg:$0x0];
	s2 =	stileid.u32  }
0x14a: {  	s1 =	rddreg [dreg:$0x1];
	p0 =	sne.s32 s2, $0x0  }
0x14b: {  	s3 =	rddreg [dreg:$0x2];
	[bflag:$0x3] =	sbarrier.arrive $0xFFFF;
	s2 =	simm.s32 @!p0 $0x1C02  }
0x14c: {  	[timem:s3], [sflag:s2] =	dma.local @!p0 [hbm:s0], s1  }
0x14d: {  	s0 =	simm.s32 @!p0 $0x2  }
0x14e: {  	_ =	swait.ge @!p0 [sflag:s0], s1  }
0x14f: {  	s1 =	ssub.s32 @!p0 $0x0, s1;
	[sflag:s0] =	ssyncset.done @!p0 $0x0  }
0x150: {  	[sflag:s0] =	ssyncadd.s32 @!p0 s1  }
0x151: {  	[bflag:$0x3] =	sbarrier.arrive $0xFFFF  }
0x152: {  	_ =	shalt  }

</sc_bundles>
